<compile_context>
chip_gen: v7x
topology: tpu7x:2x2x1
jax: 0.10.2.dev20260603
libtpu: 0.0.44.dev20260713+nightly
codegen_flags: <defaults>
</compile_context>

<pallas_src>
import functools
import jax
import jax.numpy as jnp
from jax.experimental import pallas as pl
from jax.experimental.pallas import tpu as pltpu
from jax.experimental.pallas import tpu_sc as plsc

L = 16


def _sc_add(x, pos):
    B, S, D = x.shape
    R = 4
    mesh = plsc.VectorSubcoreMesh(core_axis_name="core", subcore_axis_name="subcore")

    @functools.partial(
        pl.kernel,
        out_type=jax.ShapeDtypeStruct((B, S, D), x.dtype),
        mesh=mesh,
        scratch_types=[],
    )
    def k(x_hbm, pos_hbm, out_hbm):
        def body(x_vmem, pos_vmem, out_vmem):
            for r in range(R):
                @plsc.parallel_loop(0, D, L, unroll=8)
                def _(c):
                    pv = pos_vmem.at[r, pl.ds(c, L)][...]
                    for b in range(B):
                        out_vmem.at[b, r, pl.ds(c, L)][...] = (
                            x_vmem.at[b, r, pl.ds(c, L)][...] + pv
                        )

        pltpu.emit_pipeline(
            body,
            grid=(S // R,),
            in_specs=[
                pl.BlockSpec((B, R, D), lambda i: (0, i, 0)),
                pl.BlockSpec((R, D), lambda i: (i, 0)),
            ],
            out_specs=[pl.BlockSpec((B, R, D), lambda i: (0, i, 0))],
            core_axis_name=("core", "subcore"),
            dimension_semantics=(pltpu.PARALLEL,),
        )(x_hbm, pos_hbm, out_hbm)

    return k(x, pos)


def kernel(x, pos_table):
    B, S, D = x.shape
    pos = jax.lax.slice(pos_table, (0, 0), (S, D))
    return _sc_add(x, pos)

# --- scband reference (transcript-rebuilt; emitter-appended) ---
"""Pipeline reference for scband-learned-positional-encoding-81716047773841 (READ-ONLY COPY).

The authoritative reference and input builder live on the scoring server;
editing this copy changes nothing except your own understanding.
"""

import jax, jax.numpy as jnp
import numpy as np

D_MODEL = 1024
MAX_LEN = 5000
B = 4
S = 4096

def setup_inputs(seed: int = 0) -> dict:
    key = jax.random.key(seed)
    k_x, k_tab = jax.random.split(key)
    x = jax.random.normal(k_x, (B, S, D_MODEL), dtype=jnp.float32)
    # nn.Embedding default init: N(0, 1)
    pos_table = jax.random.normal(k_tab, (MAX_LEN, D_MODEL), dtype=jnp.float32)
    return {"x": x, "pos_table": pos_table}

def reference(x, pos_table):
    seq_len = x.shape[1]
    pos = jnp.arange(seq_len, dtype=jnp.int32)  # [S]
    embedded = jnp.take(pos_table, pos, axis=0)  # [S, D]
    # broadcast over batch, same as pos.expand(B, -1) -> embedding -> add
    return x + embedded[None, :, :]

if __name__ == "__main__":
    import jax
    _d = setup_inputs()
    print(jax.jit(kernel)(*tuple(_d.values())))

</pallas_src>

<mosaic_0001>
#map = affine_map<(d0, d1) -> (0, 0, 0)>
#map1 = affine_map<(d0, d1) -> (0, 0)>
module attributes {stable_mosaic.version = 14 : i64} {
  func.func @k(%arg0: i32, %arg1: i32, %arg2: memref<4x4096x1024xf32, #tpu.memory_space<hbm>>, %arg3: memref<4096x1024xf32, #tpu.memory_space<hbm>>, %arg4: memref<4x4096x1024xf32, #tpu.memory_space<hbm>>) attributes {dimension_semantics = [#tpu.dimension_semantics<core_parallel>, #tpu.dimension_semantics<subcore_parallel>], iteration_bounds = array<i64: 2, 16>, scalar_prefetch = 0 : i64, scratch_operands = 0 : i64, tpu.core_type = #tpu.core_type<sc_vector_subcore>, window_params = [{transform_indices = #map}, {transform_indices = #map1}, {transform_indices = #map}]} {
    %mul3A = arith.constant 1 : i32
    %mul3A_0 = arith.muli %arg1, %mul3A : i32
    %add3A = arith.constant 0 : i32
    %add3A_1 = arith.addi %add3A, %mul3A_0 : i32
    %mul3A_2 = arith.constant 16 : i32
    %mul3A_3 = arith.muli %arg0, %mul3A_2 : i32
    %add3A_4 = arith.addi %add3A_1, %mul3A_3 : i32
    %mul3A_5 = arith.constant 32 : i32
    %mul3A_6 = arith.muli %add3A_4, %mul3A_5 : i32
    "tpu.region"() ({
      %run_scoped3A = memref.alloca() : memref<2x4x4x1024xf32, #tpu.memory_space<vmem>>
      %run_scoped3A_7 = tpu.sem_alloc : memref<2x!tpu.dma_semaphore, #tpu.memory_space<semaphore_mem>>
      %run_scoped3A_8 = memref.alloca() : memref<2x4x1024xf32, #tpu.memory_space<vmem>>
      %run_scoped3A_9 = tpu.sem_alloc : memref<2x!tpu.dma_semaphore, #tpu.memory_space<semaphore_mem>>
      %run_scoped3A_10 = memref.alloca() : memref<2x4x4x1024xf32, #tpu.memory_space<vmem>>
      %run_scoped3A_11 = tpu.sem_alloc : memref<2x!tpu.dma_semaphore, #tpu.memory_space<semaphore_mem>>
      %add3A_12 = arith.constant 0 : i32
      %add3A_13 = arith.addi %add3A_12, %mul3A_6 : i32
      %select_n3A = arith.constant true
      %select_n3A_14 = arith.constant 0 : i32
      %select_n3A_15 = arith.constant -1 : i32
      %select_n3A_16 = arith.select %select_n3A, %select_n3A_15, %select_n3A_14 : i32
      %eq3A = arith.constant -1 : i32
      %eq3A_17 = arith.cmpi eq, %select_n3A_16, %eq3A : i32
      %select_n3A_18 = arith.constant 31 : i32
      %select_n3A_19 = arith.select %eq3A_17, %select_n3A_18, %select_n3A_16 : i32
      %add3A_20 = arith.addi %select_n3A_19, %mul3A_6 : i32
      %select_n3A_21 = arith.constant true
      %select_n3A_22 = arith.constant 0 : i32
      %select_n3A_23 = arith.constant 1 : i32
      %select_n3A_24 = arith.select %select_n3A_21, %select_n3A_23, %select_n3A_22 : i32
      %eq3A_25 = arith.constant 32 : i32
      %eq3A_26 = arith.cmpi eq, %select_n3A_24, %eq3A_25 : i32
      %select_n3A_27 = arith.constant 0 : i32
      %select_n3A_28 = arith.select %eq3A_26, %select_n3A_27, %select_n3A_24 : i32
      %add3A_29 = arith.addi %select_n3A_28, %mul3A_6 : i32
      %add3A_30 = arith.constant 1 : i32
      %add3A_31 = arith.addi %select_n3A_28, %add3A_30 : i32
      %select_n3A_32 = arith.constant true
      %select_n3A_33 = arith.select %select_n3A_32, %add3A_31, %select_n3A_28 : i32
      %eq3A_34 = arith.constant 32 : i32
      %eq3A_35 = arith.cmpi eq, %select_n3A_33, %eq3A_34 : i32
      %select_n3A_36 = arith.constant 0 : i32
      %select_n3A_37 = arith.select %eq3A_35, %select_n3A_36, %select_n3A_33 : i32
      %add3A_38 = arith.addi %select_n3A_37, %mul3A_6 : i32
      "tpu.trace_start"() <{level = 10 : i32, message = "ep_initialize_0"}> : () -> ()
      %rem3A = arith.constant 0 : i32
      %rem3A_39 = arith.constant 2 : i32
      %rem3A_40 = arith.remui %rem3A, %rem3A_39 : i32
      %mul3A_41 = arith.constant 4 : i32
      %mul3A_42 = arith.muli %mul3A_41, %add3A_13 : i32
      %dma_start3A = arith.constant 0 : i32
      %dma_start3A_43 = arith.constant 0 : i32
      %dma_start3A_44 = arith.constant 0 : i32
      %dma_start3A_45 = tpu.memref_slice %run_scoped3A[%rem3A_40, %dma_start3A, %dma_start3A_43, %dma_start3A_44] : memref<2x4x4x1024xf32, #tpu.memory_space<vmem>> -> memref<1x4x4x1024xf32, #tpu.memory_space<vmem>>
      %dma_start3A_46 = tpu.memref_squeeze %dma_start3A_45 : memref<1x4x4x1024xf32, #tpu.memory_space<vmem>> -> memref<4x4x1024xf32, #tpu.memory_space<vmem>>
      %dma_start3A_47 = arith.constant 0 : i32
      %dma_start3A_48 = arith.constant 0 : i32
      %dma_start3A_49 = tpu.memref_slice %arg2[%dma_start3A_47, %mul3A_42, %dma_start3A_48] : memref<4x4096x1024xf32, #tpu.memory_space<hbm>> -> memref<4x4x1024xf32, #tpu.memory_space<hbm>>
      %dma_start3A_50 = tpu.memref_slice %run_scoped3A_7[%rem3A_40] : memref<2x!tpu.dma_semaphore, #tpu.memory_space<semaphore_mem>> -> memref<1x!tpu.dma_semaphore, #tpu.memory_space<semaphore_mem>>
      %dma_start3A_51 = tpu.memref_squeeze %dma_start3A_50 : memref<1x!tpu.dma_semaphore, #tpu.memory_space<semaphore_mem>> -> memref<!tpu.dma_semaphore, #tpu.memory_space<semaphore_mem>>
      %dma_start3A_52 = arith.constant 0 : i32
      %dma_start3A_53 = arith.constant 0 : i32
      %dma_start3A_54 = arith.constant 0 : i32
      %dma_start3A_55 = tpu.memref_slice %run_scoped3A[%rem3A_40, %dma_start3A_52, %dma_start3A_53, %dma_start3A_54] : memref<2x4x4x1024xf32, #tpu.memory_space<vmem>> -> memref<1x4x4x1024xf32, #tpu.memory_space<vmem>>
      %dma_start3A_56 = tpu.memref_squeeze %dma_start3A_55 : memref<1x4x4x1024xf32, #tpu.memory_space<vmem>> -> memref<4x4x1024xf32, #tpu.memory_space<vmem>>
      %dma_start3A_57 = arith.constant 0 : i32
      %dma_start3A_58 = arith.constant 0 : i32
      %dma_start3A_59 = tpu.memref_slice %arg2[%dma_start3A_57, %mul3A_42, %dma_start3A_58] : memref<4x4096x1024xf32, #tpu.memory_space<hbm>> -> memref<4x4x1024xf32, #tpu.memory_space<hbm>>
      tpu.enqueue_dma source(%dma_start3A_59 : memref<4x4x1024xf32, #tpu.memory_space<hbm>>) target(%dma_start3A_56 : memref<4x4x1024xf32, #tpu.memory_space<vmem>>) target_semaphore(%dma_start3A_51 : memref<!tpu.dma_semaphore, #tpu.memory_space<semaphore_mem>>)
      %add3A_60 = arith.constant 0 : i32
      %add3A_61 = arith.constant 1 : i32
      %add3A_62 = arith.addi %add3A_60, %add3A_61 : i32
      %select_n3A_63 = arith.constant true
      %select_n3A_64 = arith.constant 0 : i32
      %select_n3A_65 = arith.select %select_n3A_63, %add3A_62, %select_n3A_64 : i32
      %rem3A_66 = arith.constant 0 : i32
      %rem3A_67 = arith.constant 2 : i32
      %rem3A_68 = arith.remui %rem3A_66, %rem3A_67 : i32
      %mul3A_69 = arith.constant 4 : i32
      %mul3A_70 = arith.muli %mul3A_69, %add3A_13 : i32
      %dma_start3A_71 = arith.constant 0 : i32
      %dma_start3A_72 = arith.constant 0 : i32
      %dma_start3A_73 = tpu.memref_slice %run_scoped3A_8[%rem3A_68, %dma_start3A_71, %dma_start3A_72] : memref<2x4x1024xf32, #tpu.memory_space<vmem>> -> memref<1x4x1024xf32, #tpu.memory_space<vmem>>
      %dma_start3A_74 = tpu.memref_squeeze %dma_start3A_73 : memref<1x4x1024xf32, #tpu.memory_space<vmem>> -> memref<4x1024xf32, #tpu.memory_space<vmem>>
      %dma_start3A_75 = arith.constant 0 : i32
      %dma_start3A_76 = tpu.memref_slice %arg3[%mul3A_70, %dma_start3A_75] : memref<4096x1024xf32, #tpu.memory_space<hbm>> -> memref<4x1024xf32, #tpu.memory_space<hbm>>
      %dma_start3A_77 = tpu.memref_slice %run_scoped3A_9[%rem3A_68] : memref<2x!tpu.dma_semaphore, #tpu.memory_space<semaphore_mem>> -> memref<1x!tpu.dma_semaphore, #tpu.memory_space<semaphore_mem>>
      %dma_start3A_78 = tpu.memref_squeeze %dma_start3A_77 : memref<1x!tpu.dma_semaphore, #tpu.memory_space<semaphore_mem>> -> memref<!tpu.dma_semaphore, #tpu.memory_space<semaphore_mem>>
      %dma_start3A_79 = arith.constant 0 : i32
      %dma_start3A_80 = arith.constant 0 : i32
      %dma_start3A_81 = tpu.memref_slice %run_scoped3A_8[%rem3A_68, %dma_start3A_79, %dma_start3A_80] : memref<2x4x1024xf32, #tpu.memory_space<vmem>> -> memref<1x4x1024xf32, #tpu.memory_space<vmem>>
      %dma_start3A_82 = tpu.memref_squeeze %dma_start3A_81 : memref<1x4x1024xf32, #tpu.memory_space<vmem>> -> memref<4x1024xf32, #tpu.memory_space<vmem>>
      %dma_start3A_83 = arith.constant 0 : i32
      %dma_start3A_84 = tpu.memref_slice %arg3[%mul3A_70, %dma_start3A_83] : memref<4096x1024xf32, #tpu.memory_space<hbm>> -> memref<4x1024xf32, #tpu.memory_space<hbm>>
      tpu.enqueue_dma source(%dma_start3A_84 : memref<4x1024xf32, #tpu.memory_space<hbm>>) target(%dma_start3A_82 : memref<4x1024xf32, #tpu.memory_space<vmem>>) target_semaphore(%dma_start3A_78 : memref<!tpu.dma_semaphore, #tpu.memory_space<semaphore_mem>>)
      %add3A_85 = arith.constant 0 : i32
      %add3A_86 = arith.constant 1 : i32
      %add3A_87 = arith.addi %add3A_85, %add3A_86 : i32
      %select_n3A_88 = arith.constant true
      %select_n3A_89 = arith.constant 0 : i32
      %select_n3A_90 = arith.select %select_n3A_88, %add3A_87, %select_n3A_89 : i32
      "tpu.trace_stop"() : () -> ()
      %scan3A = arith.constant 0 : i32
      %scan3A_91 = arith.constant 0 : i32
      %scan3A_92 = arith.constant 0 : i32
      %scan3A_93 = arith.constant 0 : i32
      %scan3A_94 = arith.constant 0 : i32
      %scan3A_95 = arith.constant 0 : i32
      %scan3A_96 = arith.constant 32 : i32
      %scan3A_97 = arith.addi %scan3A_95, %scan3A_96 : i32
      %scan3A_98 = arith.constant 1 : i32
      %scan3A_99:7 = scf.for %scan3A_157 = %scan3A_95 to %scan3A_97 step %scan3A_98 iter_args(%scan3A_158 = %select_n3A_65, %scan3A_159 = %scan3A, %scan3A_160 = %select_n3A_90, %scan3A_161 = %scan3A_91, %scan3A_162 = %scan3A_92, %scan3A_163 = %scan3A_93, %scan3A_164 = %scan3A_94) -> (i32, i32, i32, i32, i32, i32, i32)  : i32 {
        %eq3A_165 = arith.constant 0 : i32
        %eq3A_166 = arith.cmpi eq, %scan3A_157, %eq3A_165 : i32
        %eq3A_167 = arith.constant 31 : i32
        %eq3A_168 = arith.cmpi eq, %scan3A_157, %eq3A_167 : i32
        %add3A_169 = arith.addi %scan3A_164, %mul3A_6 : i32
        %sub3A_170 = arith.constant 1 : i32
        %sub3A_171 = arith.subi %scan3A_164, %sub3A_170 : i32
        %select_n3A_172 = arith.constant true
        %select_n3A_173 = arith.select %select_n3A_172, %sub3A_171, %scan3A_164 : i32
        %eq3A_174 = arith.constant -1 : i32
        %eq3A_175 = arith.cmpi eq, %select_n3A_173, %eq3A_174 : i32
        %select_n3A_176 = arith.constant 31 : i32
        %select_n3A_177 = arith.select %eq3A_175, %select_n3A_176, %select_n3A_173 : i32
        %add3A_178 = arith.addi %select_n3A_177, %mul3A_6 : i32
        %add3A_179 = arith.constant 1 : i32
        %add3A_180 = arith.addi %scan3A_164, %add3A_179 : i32
        %select_n3A_181 = arith.constant true
        %select_n3A_182 = arith.select %select_n3A_181, %add3A_180, %scan3A_164 : i32
        %eq3A_183 = arith.constant 32 : i32
        %eq3A_184 = arith.cmpi eq, %select_n3A_182, %eq3A_183 : i32
        %select_n3A_185 = arith.constant 0 : i32
        %select_n3A_186 = arith.select %eq3A_184, %select_n3A_185, %select_n3A_182 : i32
        %add3A_187 = arith.addi %select_n3A_186, %mul3A_6 : i32
        %add3A_188 = arith.constant 1 : i32
        %add3A_189 = arith.addi %select_n3A_186, %add3A_188 : i32
        %select_n3A_190 = arith.constant true
        %select_n3A_191 = arith.select %select_n3A_190, %add3A_189, %select_n3A_186 : i32
        %eq3A_192 = arith.constant 32 : i32
        %eq3A_193 = arith.cmpi eq, %select_n3A_191, %eq3A_192 : i32
        %select_n3A_194 = arith.constant 0 : i32
        %select_n3A_195 = arith.select %eq3A_193, %select_n3A_194, %select_n3A_191 : i32
        %add3A_196 = arith.addi %select_n3A_195, %mul3A_6 : i32
        %ne3A = arith.cmpi ne, %add3A_169, %add3A_187 : i32
        %or3A = arith.constant false
        %or3A_197 = arith.ori %or3A, %ne3A : i1
        %or3A_198 = arith.constant false
        %or3A_199 = arith.ori %or3A_197, %or3A_198 : i1
        %ge3A = arith.constant 31 : i32
        %ge3A_200 = arith.cmpi sge, %scan3A_157, %ge3A : i32
        %not3A = arith.constant true
        %not3A_201 = arith.xori %ge3A_200, %not3A : i1
        %and3A = arith.andi %or3A_199, %not3A_201 : i1
        %convert_element_type3A = arith.extui %and3A : i1 to i32
        %cond3A = arith.constant 0 : i32
        %cond3A_202 = arith.cmpi ne, %convert_element_type3A, %cond3A : i32
        scf.if %cond3A_202 {
          "tpu.trace_start"() <{level = 10 : i32, message = "ep_copy_in"}> : () -> ()
          %rem3A_384 = arith.constant 2 : i32
          %rem3A_385 = arith.remui %scan3A_158, %rem3A_384 : i32
          %mul3A_386 = arith.constant 4 : i32
          %mul3A_387 = arith.muli %mul3A_386, %add3A_187 : i32
          %dma_start3A_388 = arith.constant 0 : i32
          %dma_start3A_389 = arith.constant 0 : i32
          %dma_start3A_390 = arith.constant 0 : i32
          %dma_start3A_391 = tpu.memref_slice %run_scoped3A[%rem3A_385, %dma_start3A_388, %dma_start3A_389, %dma_start3A_390] : memref<2x4x4x1024xf32, #tpu.memory_space<vmem>> -> memref<1x4x4x1024xf32, #tpu.memory_space<vmem>>
          %dma_start3A_392 = tpu.memref_squeeze %dma_start3A_391 : memref<1x4x4x1024xf32, #tpu.memory_space<vmem>> -> memref<4x4x1024xf32, #tpu.memory_space<vmem>>
          %dma_start3A_393 = arith.constant 0 : i32
          %dma_start3A_394 = arith.constant 0 : i32
          %dma_start3A_395 = tpu.memref_slice %arg2[%dma_start3A_393, %mul3A_387, %dma_start3A_394] : memref<4x4096x1024xf32, #tpu.memory_space<hbm>> -> memref<4x4x1024xf32, #tpu.memory_space<hbm>>
          %dma_start3A_396 = tpu.memref_slice %run_scoped3A_7[%rem3A_385] : memref<2x!tpu.dma_semaphore, #tpu.memory_space<semaphore_mem>> -> memref<1x!tpu.dma_semaphore, #tpu.memory_space<semaphore_mem>>
          %dma_start3A_397 = tpu.memref_squeeze %dma_start3A_396 : memref<1x!tpu.dma_semaphore, #tpu.memory_space<semaphore_mem>> -> memref<!tpu.dma_semaphore, #tpu.memory_space<semaphore_mem>>
          %dma_start3A_398 = arith.constant 0 : i32
          %dma_start3A_399 = arith.constant 0 : i32
          %dma_start3A_400 = arith.constant 0 : i32
          %dma_start3A_401 = tpu.memref_slice %run_scoped3A[%rem3A_385, %dma_start3A_398, %dma_start3A_399, %dma_start3A_400] : memref<2x4x4x1024xf32, #tpu.memory_space<vmem>> -> memref<1x4x4x1024xf32, #tpu.memory_space<vmem>>
          %dma_start3A_402 = tpu.memref_squeeze %dma_start3A_401 : memref<1x4x4x1024xf32, #tpu.memory_space<vmem>> -> memref<4x4x1024xf32, #tpu.memory_space<vmem>>
          %dma_start3A_403 = arith.constant 0 : i32
          %dma_start3A_404 = arith.constant 0 : i32
          %dma_start3A_405 = tpu.memref_slice %arg2[%dma_start3A_403, %mul3A_387, %dma_start3A_404] : memref<4x4096x1024xf32, #tpu.memory_space<hbm>> -> memref<4x4x1024xf32, #tpu.memory_space<hbm>>
          tpu.enqueue_dma source(%dma_start3A_405 : memref<4x4x1024xf32, #tpu.memory_space<hbm>>) target(%dma_start3A_402 : memref<4x4x1024xf32, #tpu.memory_space<vmem>>) target_semaphore(%dma_start3A_397 : memref<!tpu.dma_semaphore, #tpu.memory_space<semaphore_mem>>)
          "tpu.trace_stop"() : () -> ()
        } else {
        }
        %and3A_203 = arith.constant true
        %and3A_204 = arith.andi %and3A, %and3A_203 : i1
        %add3A_205 = arith.constant 1 : i32
        %add3A_206 = arith.addi %scan3A_158, %add3A_205 : i32
        %select_n3A_207 = arith.select %and3A_204, %add3A_206, %scan3A_158 : i32
        %ne3A_208 = arith.cmpi ne, %add3A_169, %add3A_187 : i32
        %or3A_209 = arith.constant false
        %or3A_210 = arith.ori %or3A_209, %ne3A_208 : i1
        %or3A_211 = arith.constant false
        %or3A_212 = arith.ori %or3A_210, %or3A_211 : i1
        %ge3A_213 = arith.constant 31 : i32
        %ge3A_214 = arith.cmpi sge, %scan3A_157, %ge3A_213 : i32
        %not3A_215 = arith.constant true
        %not3A_216 = arith.xori %ge3A_214, %not3A_215 : i1
        %and3A_217 = arith.andi %or3A_212, %not3A_216 : i1
        %convert_element_type3A_218 = arith.extui %and3A_217 : i1 to i32
        %cond3A_219 = arith.constant 0 : i32
        %cond3A_220 = arith.cmpi ne, %convert_element_type3A_218, %cond3A_219 : i32
        scf.if %cond3A_220 {
          "tpu.trace_start"() <{level = 10 : i32, message = "ep_copy_in"}> : () -> ()
          %rem3A_384 = arith.constant 2 : i32
          %rem3A_385 = arith.remui %scan3A_160, %rem3A_384 : i32
          %mul3A_386 = arith.constant 4 : i32
          %mul3A_387 = arith.muli %mul3A_386, %add3A_187 : i32
          %dma_start3A_388 = arith.constant 0 : i32
          %dma_start3A_389 = arith.constant 0 : i32
          %dma_start3A_390 = tpu.memref_slice %run_scoped3A_8[%rem3A_385, %dma_start3A_388, %dma_start3A_389] : memref<2x4x1024xf32, #tpu.memory_space<vmem>> -> memref<1x4x1024xf32, #tpu.memory_space<vmem>>
          %dma_start3A_391 = tpu.memref_squeeze %dma_start3A_390 : memref<1x4x1024xf32, #tpu.memory_space<vmem>> -> memref<4x1024xf32, #tpu.memory_space<vmem>>
          %dma_start3A_392 = arith.constant 0 : i32
          %dma_start3A_393 = tpu.memref_slice %arg3[%mul3A_387, %dma_start3A_392] : memref<4096x1024xf32, #tpu.memory_space<hbm>> -> memref<4x1024xf32, #tpu.memory_space<hbm>>
          %dma_start3A_394 = tpu.memref_slice %run_scoped3A_9[%rem3A_385] : memref<2x!tpu.dma_semaphore, #tpu.memory_space<semaphore_mem>> -> memref<1x!tpu.dma_semaphore, #tpu.memory_space<semaphore_mem>>
          %dma_start3A_395 = tpu.memref_squeeze %dma_start3A_394 : memref<1x!tpu.dma_semaphore, #tpu.memory_space<semaphore_mem>> -> memref<!tpu.dma_semaphore, #tpu.memory_space<semaphore_mem>>
          %dma_start3A_396 = arith.constant 0 : i32
          %dma_start3A_397 = arith.constant 0 : i32
          %dma_start3A_398 = tpu.memref_slice %run_scoped3A_8[%rem3A_385, %dma_start3A_396, %dma_start3A_397] : memref<2x4x1024xf32, #tpu.memory_space<vmem>> -> memref<1x4x1024xf32, #tpu.memory_space<vmem>>
          %dma_start3A_399 = tpu.memref_squeeze %dma_start3A_398 : memref<1x4x1024xf32, #tpu.memory_space<vmem>> -> memref<4x1024xf32, #tpu.memory_space<vmem>>
          %dma_start3A_400 = arith.constant 0 : i32
          %dma_start3A_401 = tpu.memref_slice %arg3[%mul3A_387, %dma_start3A_400] : memref<4096x1024xf32, #tpu.memory_space<hbm>> -> memref<4x1024xf32, #tpu.memory_space<hbm>>
          tpu.enqueue_dma source(%dma_start3A_401 : memref<4x1024xf32, #tpu.memory_space<hbm>>) target(%dma_start3A_399 : memref<4x1024xf32, #tpu.memory_space<vmem>>) target_semaphore(%dma_start3A_395 : memref<!tpu.dma_semaphore, #tpu.memory_space<semaphore_mem>>)
          "tpu.trace_stop"() : () -> ()
        } else {
        }
        %and3A_221 = arith.constant true
        %and3A_222 = arith.andi %and3A_217, %and3A_221 : i1
        %add3A_223 = arith.constant 1 : i32
        %add3A_224 = arith.addi %scan3A_160, %add3A_223 : i32
        %select_n3A_225 = arith.select %and3A_222, %add3A_224, %scan3A_160 : i32
        %ne3A_226 = arith.cmpi ne, %add3A_169, %add3A_187 : i32
        %or3A_227 = arith.constant false
        %or3A_228 = arith.ori %or3A_227, %ne3A_226 : i1
        %or3A_229 = arith.constant false
        %or3A_230 = arith.ori %or3A_228, %or3A_229 : i1
        %ge3A_231 = arith.constant 31 : i32
        %ge3A_232 = arith.cmpi sge, %scan3A_157, %ge3A_231 : i32
        %not3A_233 = arith.constant true
        %not3A_234 = arith.xori %ge3A_232, %not3A_233 : i1
        %and3A_235 = arith.andi %or3A_230, %not3A_234 : i1
        %ne3A_236 = arith.cmpi ne, %add3A_169, %add3A_178 : i32
        %or3A_237 = arith.constant false
        %or3A_238 = arith.ori %or3A_237, %ne3A_236 : i1
        %or3A_239 = arith.constant false
        %or3A_240 = arith.ori %or3A_238, %or3A_239 : i1
        %or3A_241 = arith.ori %or3A_240, %eq3A_166 : i1
        %convert_element_type3A_242 = arith.extui %or3A_241 : i1 to i32
        %cond3A_243 = arith.constant 0 : i32
        %cond3A_244 = arith.cmpi ne, %convert_element_type3A_242, %cond3A_243 : i32
        scf.if %cond3A_244 {
          "tpu.trace_start"() <{level = 10 : i32, message = "ep_wait_in"}> : () -> ()
          %mul3A_384 = arith.constant 4 : i32
          %mul3A_385 = arith.muli %mul3A_384, %add3A_169 : i32
          %rem3A_386 = arith.constant 2 : i32
          %rem3A_387 = arith.remui %scan3A_159, %rem3A_386 : i32
          %dma_wait3A_388 = arith.constant 0 : i32
          %dma_wait3A_389 = arith.constant 0 : i32
          %dma_wait3A_390 = arith.constant 0 : i32
          %dma_wait3A_391 = tpu.memref_slice %run_scoped3A[%rem3A_387, %dma_wait3A_388, %dma_wait3A_389, %dma_wait3A_390] : memref<2x4x4x1024xf32, #tpu.memory_space<vmem>> -> memref<1x4x4x1024xf32, #tpu.memory_space<vmem>>
          %dma_wait3A_392 = tpu.memref_squeeze %dma_wait3A_391 : memref<1x4x4x1024xf32, #tpu.memory_space<vmem>> -> memref<4x4x1024xf32, #tpu.memory_space<vmem>>
          %dma_wait3A_393 = arith.constant 0 : i32
          %dma_wait3A_394 = arith.constant 0 : i32
          %dma_wait3A_395 = tpu.memref_slice %arg2[%dma_wait3A_393, %mul3A_385, %dma_wait3A_394] : memref<4x4096x1024xf32, #tpu.memory_space<hbm>> -> memref<4x4x1024xf32, #tpu.memory_space<hbm>>
          %dma_wait3A_396 = tpu.memref_slice %run_scoped3A_7[%rem3A_387] : memref<2x!tpu.dma_semaphore, #tpu.memory_space<semaphore_mem>> -> memref<1x!tpu.dma_semaphore, #tpu.memory_space<semaphore_mem>>
          %dma_wait3A_397 = tpu.memref_squeeze %dma_wait3A_396 : memref<1x!tpu.dma_semaphore, #tpu.memory_space<semaphore_mem>> -> memref<!tpu.dma_semaphore, #tpu.memory_space<semaphore_mem>>
          %dma_wait3A_398 = arith.constant 0 : i32
          %dma_wait3A_399 = arith.constant 0 : i32
          %dma_wait3A_400 = arith.constant 0 : i32
          %dma_wait3A_401 = tpu.memref_slice %run_scoped3A[%rem3A_387, %dma_wait3A_398, %dma_wait3A_399, %dma_wait3A_400] : memref<2x4x4x1024xf32, #tpu.memory_space<vmem>> -> memref<1x4x4x1024xf32, #tpu.memory_space<vmem>>
          %dma_wait3A_402 = tpu.memref_squeeze %dma_wait3A_401 : memref<1x4x4x1024xf32, #tpu.memory_space<vmem>> -> memref<4x4x1024xf32, #tpu.memory_space<vmem>>
          %dma_wait3A_403 = arith.constant 0 : i32
          %dma_wait3A_404 = arith.constant 0 : i32
          %dma_wait3A_405 = tpu.memref_slice %arg2[%dma_wait3A_403, %mul3A_385, %dma_wait3A_404] : memref<4x4096x1024xf32, #tpu.memory_space<hbm>> -> memref<4x4x1024xf32, #tpu.memory_space<hbm>>
          tpu.wait_dma2 semaphore(%dma_wait3A_397 : memref<!tpu.dma_semaphore, #tpu.memory_space<semaphore_mem>>) src(%dma_wait3A_405 : memref<4x4x1024xf32, #tpu.memory_space<hbm>>) dst(%dma_wait3A_402 : memref<4x4x1024xf32, #tpu.memory_space<vmem>>)
          "tpu.trace_stop"() : () -> ()
        } else {
        }
        %ne3A_245 = arith.cmpi ne, %add3A_169, %add3A_178 : i32
        %or3A_246 = arith.constant false
        %or3A_247 = arith.ori %or3A_246, %ne3A_245 : i1
        %or3A_248 = arith.constant false
        %or3A_249 = arith.ori %or3A_247, %or3A_248 : i1
        %or3A_250 = arith.ori %or3A_249, %eq3A_166 : i1
        %convert_element_type3A_251 = arith.extui %or3A_250 : i1 to i32
        %cond3A_252 = arith.constant 0 : i32
        %cond3A_253 = arith.cmpi ne, %convert_element_type3A_251, %cond3A_252 : i32
        scf.if %cond3A_253 {
          "tpu.trace_start"() <{level = 10 : i32, message = "ep_wait_in"}> : () -> ()
          %mul3A_384 = arith.constant 4 : i32
          %mul3A_385 = arith.muli %mul3A_384, %add3A_169 : i32
          %rem3A_386 = arith.constant 2 : i32
          %rem3A_387 = arith.remui %scan3A_161, %rem3A_386 : i32
          %dma_wait3A_388 = arith.constant 0 : i32
          %dma_wait3A_389 = arith.constant 0 : i32
          %dma_wait3A_390 = tpu.memref_slice %run_scoped3A_8[%rem3A_387, %dma_wait3A_388, %dma_wait3A_389] : memref<2x4x1024xf32, #tpu.memory_space<vmem>> -> memref<1x4x1024xf32, #tpu.memory_space<vmem>>
          %dma_wait3A_391 = tpu.memref_squeeze %dma_wait3A_390 : memref<1x4x1024xf32, #tpu.memory_space<vmem>> -> memref<4x1024xf32, #tpu.memory_space<vmem>>
          %dma_wait3A_392 = arith.constant 0 : i32
          %dma_wait3A_393 = tpu.memref_slice %arg3[%mul3A_385, %dma_wait3A_392] : memref<4096x1024xf32, #tpu.memory_space<hbm>> -> memref<4x1024xf32, #tpu.memory_space<hbm>>
          %dma_wait3A_394 = tpu.memref_slice %run_scoped3A_9[%rem3A_387] : memref<2x!tpu.dma_semaphore, #tpu.memory_space<semaphore_mem>> -> memref<1x!tpu.dma_semaphore, #tpu.memory_space<semaphore_mem>>
          %dma_wait3A_395 = tpu.memref_squeeze %dma_wait3A_394 : memref<1x!tpu.dma_semaphore, #tpu.memory_space<semaphore_mem>> -> memref<!tpu.dma_semaphore, #tpu.memory_space<semaphore_mem>>
          %dma_wait3A_396 = arith.constant 0 : i32
          %dma_wait3A_397 = arith.constant 0 : i32
          %dma_wait3A_398 = tpu.memref_slice %run_scoped3A_8[%rem3A_387, %dma_wait3A_396, %dma_wait3A_397] : memref<2x4x1024xf32, #tpu.memory_space<vmem>> -> memref<1x4x1024xf32, #tpu.memory_space<vmem>>
          %dma_wait3A_399 = tpu.memref_squeeze %dma_wait3A_398 : memref<1x4x1024xf32, #tpu.memory_space<vmem>> -> memref<4x1024xf32, #tpu.memory_space<vmem>>
          %dma_wait3A_400 = arith.constant 0 : i32
          %dma_wait3A_401 = tpu.memref_slice %arg3[%mul3A_385, %dma_wait3A_400] : memref<4096x1024xf32, #tpu.memory_space<hbm>> -> memref<4x1024xf32, #tpu.memory_space<hbm>>
          tpu.wait_dma2 semaphore(%dma_wait3A_395 : memref<!tpu.dma_semaphore, #tpu.memory_space<semaphore_mem>>) src(%dma_wait3A_401 : memref<4x1024xf32, #tpu.memory_space<hbm>>) dst(%dma_wait3A_399 : memref<4x1024xf32, #tpu.memory_space<vmem>>)
          "tpu.trace_stop"() : () -> ()
        } else {
        }
        %ne3A_254 = arith.cmpi ne, %add3A_169, %add3A_178 : i32
        %or3A_255 = arith.constant false
        %or3A_256 = arith.ori %or3A_255, %ne3A_254 : i1
        %or3A_257 = arith.constant false
        %or3A_258 = arith.ori %or3A_256, %or3A_257 : i1
        %or3A_259 = arith.ori %or3A_258, %eq3A_166 : i1
        %convert_element_type3A_260 = arith.extui %or3A_259 : i1 to i32
        %cond3A_261 = arith.constant 0 : i32
        %cond3A_262 = arith.cmpi ne, %convert_element_type3A_260, %cond3A_261 : i32
        scf.if %cond3A_262 {
        } else {
        }
        %rem3A_263 = arith.constant 2 : i32
        %rem3A_264 = arith.remui %scan3A_159, %rem3A_263 : i32
        %rem3A_265 = arith.constant 2 : i32
        %rem3A_266 = arith.remui %scan3A_161, %rem3A_265 : i32
        %rem3A_267 = arith.constant 2 : i32
        %rem3A_268 = arith.remui %scan3A_162, %rem3A_267 : i32
        %parallel_loop3A = arith.constant 0 : i32
        %parallel_loop3A_269 = arith.constant 1024 : i32
        %parallel_loop3A_270 = arith.constant 16 : i32
        "tpu.trace_start"() <{level = 10 : i32, message = "ep_run_kernel"}> : () -> ()
        scf.for %parallel_loop3A_384 = %parallel_loop3A to %parallel_loop3A_269 step %parallel_loop3A_270  : i32 {
          %parallel_loop3A_385 = arith.constant 0 : i32
          %parallel_loop3A_386 = arith.constant 0 : i32
          %parallel_loop3A_387 = arith.constant 0 : i32
          %parallel_loop3A_388 = tpu.memref_slice %run_scoped3A_8[%rem3A_266, %parallel_loop3A_386, %parallel_loop3A_387] : memref<2x4x1024xf32, #tpu.memory_space<vmem>> -> memref<1x4x1024xf32, #tpu.memory_space<vmem>>
          %parallel_loop3A_389 = tpu.memref_squeeze %parallel_loop3A_388 : memref<1x4x1024xf32, #tpu.memory_space<vmem>> -> memref<4x1024xf32, #tpu.memory_space<vmem>>
          %parallel_loop3A_390 = arith.index_cast %parallel_loop3A_385 : i32 to index
          %parallel_loop3A_391 = arith.index_cast %parallel_loop3A_384 : i32 to index
          %parallel_loop3A_392 = tpu.vector_load %parallel_loop3A_389[%parallel_loop3A_390, %parallel_loop3A_391] {strides = array<i32>} : memref<4x1024xf32, #tpu.memory_space<vmem>>, vector<1x16xf32>,
          %parallel_loop3A_393 = vector.shape_cast %parallel_loop3A_392 : vector<1x16xf32> to vector<16xf32>
          %parallel_loop3A_394 = arith.constant 0 : i32
          %parallel_loop3A_395 = arith.constant 0 : i32
          %parallel_loop3A_396 = arith.constant 0 : i32
          %parallel_loop3A_397 = arith.constant 0 : i32
          %parallel_loop3A_398 = arith.constant 0 : i32
          %parallel_loop3A_399 = tpu.memref_slice %run_scoped3A[%rem3A_264, %parallel_loop3A_396, %parallel_loop3A_397, %parallel_loop3A_398] : memref<2x4x4x1024xf32, #tpu.memory_space<vmem>> -> memref<1x4x4x1024xf32, #tpu.memory_space<vmem>>
          %parallel_loop3A_400 = tpu.memref_squeeze %parallel_loop3A_399 : memref<1x4x4x1024xf32, #tpu.memory_space<vmem>> -> memref<4x4x1024xf32, #tpu.memory_space<vmem>>
          %parallel_loop3A_401 = arith.index_cast %parallel_loop3A_394 : i32 to index
          %parallel_loop3A_402 = arith.index_cast %parallel_loop3A_395 : i32 to index
          %parallel_loop3A_403 = arith.index_cast %parallel_loop3A_384 : i32 to index
          %parallel_loop3A_404 = tpu.vector_load %parallel_loop3A_400[%parallel_loop3A_401, %parallel_loop3A_402, %parallel_loop3A_403] {strides = array<i32>} : memref<4x4x1024xf32, #tpu.memory_space<vmem>>, vector<1x1x16xf32>,
          %parallel_loop3A_405 = vector.shape_cast %parallel_loop3A_404 : vector<1x1x16xf32> to vector<16xf32>
          %parallel_loop3A_406 = arith.addf %parallel_loop3A_405, %parallel_loop3A_393 : vector<16xf32>
          %parallel_loop3A_407 = arith.constant 0 : i32
          %parallel_loop3A_408 = arith.constant 0 : i32
          %parallel_loop3A_409 = arith.constant 0 : i32
          %parallel_loop3A_410 = arith.constant 0 : i32
          %parallel_loop3A_411 = arith.constant 0 : i32
          %parallel_loop3A_412 = tpu.memref_slice %run_scoped3A_10[%rem3A_268, %parallel_loop3A_409, %parallel_loop3A_410, %parallel_loop3A_411] : memref<2x4x4x1024xf32, #tpu.memory_space<vmem>> -> memref<1x4x4x1024xf32, #tpu.memory_space<vmem>>
          %parallel_loop3A_413 = tpu.memref_squeeze %parallel_loop3A_412 : memref<1x4x4x1024xf32, #tpu.memory_space<vmem>> -> memref<4x4x1024xf32, #tpu.memory_space<vmem>>
          %parallel_loop3A_414 = arith.index_cast %parallel_loop3A_407 : i32 to index
          %parallel_loop3A_415 = arith.index_cast %parallel_loop3A_408 : i32 to index
          %parallel_loop3A_416 = arith.index_cast %parallel_loop3A_384 : i32 to index
          %parallel_loop3A_417 = tpu.vector_load %parallel_loop3A_413[%parallel_loop3A_414, %parallel_loop3A_415, %parallel_loop3A_416] {strides = array<i32>} : memref<4x4x1024xf32, #tpu.memory_space<vmem>>, vector<1x1x16xf32>,
          %parallel_loop3A_418 = vector.shape_cast %parallel_loop3A_417 : vector<1x1x16xf32> to vector<16xf32>
          %parallel_loop3A_419 = vector.shape_cast %parallel_loop3A_406 : vector<16xf32> to vector<1x1x16xf32>
          tpu.vector_store %parallel_loop3A_413[%parallel_loop3A_414, %parallel_loop3A_415, %parallel_loop3A_416], %parallel_loop3A_419 {strides = array<i32>} : memref<4x4x1024xf32, #tpu.memory_space<vmem>>, vector<1x1x16xf32>,
          %parallel_loop3A_420 = arith.constant 1 : i32
          %parallel_loop3A_421 = arith.constant 0 : i32
          %parallel_loop3A_422 = arith.constant 0 : i32
          %parallel_loop3A_423 = arith.constant 0 : i32
          %parallel_loop3A_424 = arith.constant 0 : i32
          %parallel_loop3A_425 = tpu.memref_slice %run_scoped3A[%rem3A_264, %parallel_loop3A_422, %parallel_loop3A_423, %parallel_loop3A_424] : memref<2x4x4x1024xf32, #tpu.memory_space<vmem>> -> memref<1x4x4x1024xf32, #tpu.memory_space<vmem>>
          %parallel_loop3A_426 = tpu.memref_squeeze %parallel_loop3A_425 : memref<1x4x4x1024xf32, #tpu.memory_space<vmem>> -> memref<4x4x1024xf32, #tpu.memory_space<vmem>>
          %parallel_loop3A_427 = arith.index_cast %parallel_loop3A_420 : i32 to index
          %parallel_loop3A_428 = arith.index_cast %parallel_loop3A_421 : i32 to index
          %parallel_loop3A_429 = arith.index_cast %parallel_loop3A_384 : i32 to index
          %parallel_loop3A_430 = tpu.vector_load %parallel_loop3A_426[%parallel_loop3A_427, %parallel_loop3A_428, %parallel_loop3A_429] {strides = array<i32>} : memref<4x4x1024xf32, #tpu.memory_space<vmem>>, vector<1x1x16xf32>,
          %parallel_loop3A_431 = vector.shape_cast %parallel_loop3A_430 : vector<1x1x16xf32> to vector<16xf32>
          %parallel_loop3A_432 = arith.addf %parallel_loop3A_431, %parallel_loop3A_393 : vector<16xf32>
          %parallel_loop3A_433 = arith.constant 1 : i32
          %parallel_loop3A_434 = arith.constant 0 : i32
          %parallel_loop3A_435 = arith.constant 0 : i32
          %parallel_loop3A_436 = arith.constant 0 : i32
          %parallel_loop3A_437 = arith.constant 0 : i32
          %parallel_loop3A_438 = tpu.memref_slice %run_scoped3A_10[%rem3A_268, %parallel_loop3A_435, %parallel_loop3A_436, %parallel_loop3A_437] : memref<2x4x4x1024xf32, #tpu.memory_space<vmem>> -> memref<1x4x4x1024xf32, #tpu.memory_space<vmem>>
          %parallel_loop3A_439 = tpu.memref_squeeze %parallel_loop3A_438 : memref<1x4x4x1024xf32, #tpu.memory_space<vmem>> -> memref<4x4x1024xf32, #tpu.memory_space<vmem>>
          %parallel_loop3A_440 = arith.index_cast %parallel_loop3A_433 : i32 to index
          %parallel_loop3A_441 = arith.index_cast %parallel_loop3A_434 : i32 to index
          %parallel_loop3A_442 = arith.index_cast %parallel_loop3A_384 : i32 to index
          %parallel_loop3A_443 = tpu.vector_load %parallel_loop3A_439[%parallel_loop3A_440, %parallel_loop3A_441, %parallel_loop3A_442] {strides = array<i32>} : memref<4x4x1024xf32, #tpu.memory_space<vmem>>, vector<1x1x16xf32>,
          %parallel_loop3A_444 = vector.shape_cast %parallel_loop3A_443 : vector<1x1x16xf32> to vector<16xf32>
          %parallel_loop3A_445 = vector.shape_cast %parallel_loop3A_432 : vector<16xf32> to vector<1x1x16xf32>
          tpu.vector_store %parallel_loop3A_439[%parallel_loop3A_440, %parallel_loop3A_441, %parallel_loop3A_442], %parallel_loop3A_445 {strides = array<i32>} : memref<4x4x1024xf32, #tpu.memory_space<vmem>>, vector<1x1x16xf32>,
          %parallel_loop3A_446 = arith.constant 2 : i32
          %parallel_loop3A_447 = arith.constant 0 : i32
          %parallel_loop3A_448 = arith.constant 0 : i32
          %parallel_loop3A_449 = arith.constant 0 : i32
          %parallel_loop3A_450 = arith.constant 0 : i32
          %parallel_loop3A_451 = tpu.memref_slice %run_scoped3A[%rem3A_264, %parallel_loop3A_448, %parallel_loop3A_449, %parallel_loop3A_450] : memref<2x4x4x1024xf32, #tpu.memory_space<vmem>> -> memref<1x4x4x1024xf32, #tpu.memory_space<vmem>>
          %parallel_loop3A_452 = tpu.memref_squeeze %parallel_loop3A_451 : memref<1x4x4x1024xf32, #tpu.memory_space<vmem>> -> memref<4x4x1024xf32, #tpu.memory_space<vmem>>
          %parallel_loop3A_453 = arith.index_cast %parallel_loop3A_446 : i32 to index
          %parallel_loop3A_454 = arith.index_cast %parallel_loop3A_447 : i32 to index
          %parallel_loop3A_455 = arith.index_cast %parallel_loop3A_384 : i32 to index
          %parallel_loop3A_456 = tpu.vector_load %parallel_loop3A_452[%parallel_loop3A_453, %parallel_loop3A_454, %parallel_loop3A_455] {strides = array<i32>} : memref<4x4x1024xf32, #tpu.memory_space<vmem>>, vector<1x1x16xf32>,
          %parallel_loop3A_457 = vector.shape_cast %parallel_loop3A_456 : vector<1x1x16xf32> to vector<16xf32>
          %parallel_loop3A_458 = arith.addf %parallel_loop3A_457, %parallel_loop3A_393 : vector<16xf32>
          %parallel_loop3A_459 = arith.constant 2 : i32
          %parallel_loop3A_460 = arith.constant 0 : i32
          %parallel_loop3A_461 = arith.constant 0 : i32
          %parallel_loop3A_462 = arith.constant 0 : i32
          %parallel_loop3A_463 = arith.constant 0 : i32
          %parallel_loop3A_464 = tpu.memref_slice %run_scoped3A_10[%rem3A_268, %parallel_loop3A_461, %parallel_loop3A_462, %parallel_loop3A_463] : memref<2x4x4x1024xf32, #tpu.memory_space<vmem>> -> memref<1x4x4x1024xf32, #tpu.memory_space<vmem>>
          %parallel_loop3A_465 = tpu.memref_squeeze %parallel_loop3A_464 : memref<1x4x4x1024xf32, #tpu.memory_space<vmem>> -> memref<4x4x1024xf32, #tpu.memory_space<vmem>>
          %parallel_loop3A_466 = arith.index_cast %parallel_loop3A_459 : i32 to index
          %parallel_loop3A_467 = arith.index_cast %parallel_loop3A_460 : i32 to index
          %parallel_loop3A_468 = arith.index_cast %parallel_loop3A_384 : i32 to index
          %parallel_loop3A_469 = tpu.vector_load %parallel_loop3A_465[%parallel_loop3A_466, %parallel_loop3A_467, %parallel_loop3A_468] {strides = array<i32>} : memref<4x4x1024xf32, #tpu.memory_space<vmem>>, vector<1x1x16xf32>,
          %parallel_loop3A_470 = vector.shape_cast %parallel_loop3A_469 : vector<1x1x16xf32> to vector<16xf32>
          %parallel_loop3A_471 = vector.shape_cast %parallel_loop3A_458 : vector<16xf32> to vector<1x1x16xf32>
          tpu.vector_store %parallel_loop3A_465[%parallel_loop3A_466, %parallel_loop3A_467, %parallel_loop3A_468], %parallel_loop3A_471 {strides = array<i32>} : memref<4x4x1024xf32, #tpu.memory_space<vmem>>, vector<1x1x16xf32>,
          %parallel_loop3A_472 = arith.constant 3 : i32
          %parallel_loop3A_473 = arith.constant 0 : i32
          %parallel_loop3A_474 = arith.constant 0 : i32
          %parallel_loop3A_475 = arith.constant 0 : i32
          %parallel_loop3A_476 = arith.constant 0 : i32
          %parallel_loop3A_477 = tpu.memref_slice %run_scoped3A[%rem3A_264, %parallel_loop3A_474, %parallel_loop3A_475, %parallel_loop3A_476] : memref<2x4x4x1024xf32, #tpu.memory_space<vmem>> -> memref<1x4x4x1024xf32, #tpu.memory_space<vmem>>
          %parallel_loop3A_478 = tpu.memref_squeeze %parallel_loop3A_477 : memref<1x4x4x1024xf32, #tpu.memory_space<vmem>> -> memref<4x4x1024xf32, #tpu.memory_space<vmem>>
          %parallel_loop3A_479 = arith.index_cast %parallel_loop3A_472 : i32 to index
          %parallel_loop3A_480 = arith.index_cast %parallel_loop3A_473 : i32 to index
          %parallel_loop3A_481 = arith.index_cast %parallel_loop3A_384 : i32 to index
          %parallel_loop3A_482 = tpu.vector_load %parallel_loop3A_478[%parallel_loop3A_479, %parallel_loop3A_480, %parallel_loop3A_481] {strides = array<i32>} : memref<4x4x1024xf32, #tpu.memory_space<vmem>>, vector<1x1x16xf32>,
          %parallel_loop3A_483 = vector.shape_cast %parallel_loop3A_482 : vector<1x1x16xf32> to vector<16xf32>
          %parallel_loop3A_484 = arith.addf %parallel_loop3A_483, %parallel_loop3A_393 : vector<16xf32>
          %parallel_loop3A_485 = arith.constant 3 : i32
          %parallel_loop3A_486 = arith.constant 0 : i32
          %parallel_loop3A_487 = arith.constant 0 : i32
          %parallel_loop3A_488 = arith.constant 0 : i32
          %parallel_loop3A_489 = arith.constant 0 : i32
          %parallel_loop3A_490 = tpu.memref_slice %run_scoped3A_10[%rem3A_268, %parallel_loop3A_487, %parallel_loop3A_488, %parallel_loop3A_489] : memref<2x4x4x1024xf32, #tpu.memory_space<vmem>> -> memref<1x4x4x1024xf32, #tpu.memory_space<vmem>>
          %parallel_loop3A_491 = tpu.memref_squeeze %parallel_loop3A_490 : memref<1x4x4x1024xf32, #tpu.memory_space<vmem>> -> memref<4x4x1024xf32, #tpu.memory_space<vmem>>
          %parallel_loop3A_492 = arith.index_cast %parallel_loop3A_485 : i32 to index
          %parallel_loop3A_493 = arith.index_cast %parallel_loop3A_486 : i32 to index
          %parallel_loop3A_494 = arith.index_cast %parallel_loop3A_384 : i32 to index
          %parallel_loop3A_495 = tpu.vector_load %parallel_loop3A_491[%parallel_loop3A_492, %parallel_loop3A_493, %parallel_loop3A_494] {strides = array<i32>} : memref<4x4x1024xf32, #tpu.memory_space<vmem>>, vector<1x1x16xf32>,
          %parallel_loop3A_496 = vector.shape_cast %parallel_loop3A_495 : vector<1x1x16xf32> to vector<16xf32>
          %parallel_loop3A_497 = vector.shape_cast %parallel_loop3A_484 : vector<16xf32> to vector<1x1x16xf32>
          tpu.vector_store %parallel_loop3A_491[%parallel_loop3A_492, %parallel_loop3A_493, %parallel_loop3A_494], %parallel_loop3A_497 {strides = array<i32>} : memref<4x4x1024xf32, #tpu.memory_space<vmem>>, vector<1x1x16xf32>,
        } {sc.loop_unroll_factor = 8 : i64, sc.parallel_access}
        %parallel_loop3A_271 = arith.constant 0 : i32
        %parallel_loop3A_272 = arith.constant 1024 : i32
        %parallel_loop3A_273 = arith.constant 16 : i32
        scf.for %parallel_loop3A_384 = %parallel_loop3A_271 to %parallel_loop3A_272 step %parallel_loop3A_273  : i32 {
          %parallel_loop3A_385 = arith.constant 1 : i32
          %parallel_loop3A_386 = arith.constant 0 : i32
          %parallel_loop3A_387 = arith.constant 0 : i32
          %parallel_loop3A_388 = tpu.memref_slice %run_scoped3A_8[%rem3A_266, %parallel_loop3A_386, %parallel_loop3A_387] : memref<2x4x1024xf32, #tpu.memory_space<vmem>> -> memref<1x4x1024xf32, #tpu.memory_space<vmem>>
          %parallel_loop3A_389 = tpu.memref_squeeze %parallel_loop3A_388 : memref<1x4x1024xf32, #tpu.memory_space<vmem>> -> memref<4x1024xf32, #tpu.memory_space<vmem>>
          %parallel_loop3A_390 = arith.index_cast %parallel_loop3A_385 : i32 to index
          %parallel_loop3A_391 = arith.index_cast %parallel_loop3A_384 : i32 to index
          %parallel_loop3A_392 = tpu.vector_load %parallel_loop3A_389[%parallel_loop3A_390, %parallel_loop3A_391] {strides = array<i32>} : memref<4x1024xf32, #tpu.memory_space<vmem>>, vector<1x16xf32>,
          %parallel_loop3A_393 = vector.shape_cast %parallel_loop3A_392 : vector<1x16xf32> to vector<16xf32>
          %parallel_loop3A_394 = arith.constant 0 : i32
          %parallel_loop3A_395 = arith.constant 1 : i32
          %parallel_loop3A_396 = arith.constant 0 : i32
          %parallel_loop3A_397 = arith.constant 0 : i32
          %parallel_loop3A_398 = arith.constant 0 : i32
          %parallel_loop3A_399 = tpu.memref_slice %run_scoped3A[%rem3A_264, %parallel_loop3A_396, %parallel_loop3A_397, %parallel_loop3A_398] : memref<2x4x4x1024xf32, #tpu.memory_space<vmem>> -> memref<1x4x4x1024xf32, #tpu.memory_space<vmem>>
          %parallel_loop3A_400 = tpu.memref_squeeze %parallel_loop3A_399 : memref<1x4x4x1024xf32, #tpu.memory_space<vmem>> -> memref<4x4x1024xf32, #tpu.memory_space<vmem>>
          %parallel_loop3A_401 = arith.index_cast %parallel_loop3A_394 : i32 to index
          %parallel_loop3A_402 = arith.index_cast %parallel_loop3A_395 : i32 to index
          %parallel_loop3A_403 = arith.index_cast %parallel_loop3A_384 : i32 to index
          %parallel_loop3A_404 = tpu.vector_load %parallel_loop3A_400[%parallel_loop3A_401, %parallel_loop3A_402, %parallel_loop3A_403] {strides = array<i32>} : memref<4x4x1024xf32, #tpu.memory_space<vmem>>, vector<1x1x16xf32>,
          %parallel_loop3A_405 = vector.shape_cast %parallel_loop3A_404 : vector<1x1x16xf32> to vector<16xf32>
          %parallel_loop3A_406 = arith.addf %parallel_loop3A_405, %parallel_loop3A_393 : vector<16xf32>
          %parallel_loop3A_407 = arith.constant 0 : i32
          %parallel_loop3A_408 = arith.constant 1 : i32
          %parallel_loop3A_409 = arith.constant 0 : i32
          %parallel_loop3A_410 = arith.constant 0 : i32
          %parallel_loop3A_411 = arith.constant 0 : i32
          %parallel_loop3A_412 = tpu.memref_slice %run_scoped3A_10[%rem3A_268, %parallel_loop3A_409, %parallel_loop3A_410, %parallel_loop3A_411] : memref<2x4x4x1024xf32, #tpu.memory_space<vmem>> -> memref<1x4x4x1024xf32, #tpu.memory_space<vmem>>
          %parallel_loop3A_413 = tpu.memref_squeeze %parallel_loop3A_412 : memref<1x4x4x1024xf32, #tpu.memory_space<vmem>> -> memref<4x4x1024xf32, #tpu.memory_space<vmem>>
          %parallel_loop3A_414 = arith.index_cast %parallel_loop3A_407 : i32 to index
          %parallel_loop3A_415 = arith.index_cast %parallel_loop3A_408 : i32 to index
          %parallel_loop3A_416 = arith.index_cast %parallel_loop3A_384 : i32 to index
          %parallel_loop3A_417 = tpu.vector_load %parallel_loop3A_413[%parallel_loop3A_414, %parallel_loop3A_415, %parallel_loop3A_416] {strides = array<i32>} : memref<4x4x1024xf32, #tpu.memory_space<vmem>>, vector<1x1x16xf32>,
          %parallel_loop3A_418 = vector.shape_cast %parallel_loop3A_417 : vector<1x1x16xf32> to vector<16xf32>
          %parallel_loop3A_419 = vector.shape_cast %parallel_loop3A_406 : vector<16xf32> to vector<1x1x16xf32>
          tpu.vector_store %parallel_loop3A_413[%parallel_loop3A_414, %parallel_loop3A_415, %parallel_loop3A_416], %parallel_loop3A_419 {strides = array<i32>} : memref<4x4x1024xf32, #tpu.memory_space<vmem>>, vector<1x1x16xf32>,
          %parallel_loop3A_420 = arith.constant 1 : i32
          %parallel_loop3A_421 = arith.constant 1 : i32
          %parallel_loop3A_422 = arith.constant 0 : i32
          %parallel_loop3A_423 = arith.constant 0 : i32
          %parallel_loop3A_424 = arith.constant 0 : i32
          %parallel_loop3A_425 = tpu.memref_slice %run_scoped3A[%rem3A_264, %parallel_loop3A_422, %parallel_loop3A_423, %parallel_loop3A_424] : memref<2x4x4x1024xf32, #tpu.memory_space<vmem>> -> memref<1x4x4x1024xf32, #tpu.memory_space<vmem>>
          %parallel_loop3A_426 = tpu.memref_squeeze %parallel_loop3A_425 : memref<1x4x4x1024xf32, #tpu.memory_space<vmem>> -> memref<4x4x1024xf32, #tpu.memory_space<vmem>>
          %parallel_loop3A_427 = arith.index_cast %parallel_loop3A_420 : i32 to index
          %parallel_loop3A_428 = arith.index_cast %parallel_loop3A_421 : i32 to index
          %parallel_loop3A_429 = arith.index_cast %parallel_loop3A_384 : i32 to index
          %parallel_loop3A_430 = tpu.vector_load %parallel_loop3A_426[%parallel_loop3A_427, %parallel_loop3A_428, %parallel_loop3A_429] {strides = array<i32>} : memref<4x4x1024xf32, #tpu.memory_space<vmem>>, vector<1x1x16xf32>,
          %parallel_loop3A_431 = vector.shape_cast %parallel_loop3A_430 : vector<1x1x16xf32> to vector<16xf32>
          %parallel_loop3A_432 = arith.addf %parallel_loop3A_431, %parallel_loop3A_393 : vector<16xf32>
          %parallel_loop3A_433 = arith.constant 1 : i32
          %parallel_loop3A_434 = arith.constant 1 : i32
          %parallel_loop3A_435 = arith.constant 0 : i32
          %parallel_loop3A_436 = arith.constant 0 : i32
          %parallel_loop3A_437 = arith.constant 0 : i32
          %parallel_loop3A_438 = tpu.memref_slice %run_scoped3A_10[%rem3A_268, %parallel_loop3A_435, %parallel_loop3A_436, %parallel_loop3A_437] : memref<2x4x4x1024xf32, #tpu.memory_space<vmem>> -> memref<1x4x4x1024xf32, #tpu.memory_space<vmem>>
          %parallel_loop3A_439 = tpu.memref_squeeze %parallel_loop3A_438 : memref<1x4x4x1024xf32, #tpu.memory_space<vmem>> -> memref<4x4x1024xf32, #tpu.memory_space<vmem>>
          %parallel_loop3A_440 = arith.index_cast %parallel_loop3A_433 : i32 to index
          %parallel_loop3A_441 = arith.index_cast %parallel_loop3A_434 : i32 to index
          %parallel_loop3A_442 = arith.index_cast %parallel_loop3A_384 : i32 to index
          %parallel_loop3A_443 = tpu.vector_load %parallel_loop3A_439[%parallel_loop3A_440, %parallel_loop3A_441, %parallel_loop3A_442] {strides = array<i32>} : memref<4x4x1024xf32, #tpu.memory_space<vmem>>, vector<1x1x16xf32>,
          %parallel_loop3A_444 = vector.shape_cast %parallel_loop3A_443 : vector<1x1x16xf32> to vector<16xf32>
          %parallel_loop3A_445 = vector.shape_cast %parallel_loop3A_432 : vector<16xf32> to vector<1x1x16xf32>
          tpu.vector_store %parallel_loop3A_439[%parallel_loop3A_440, %parallel_loop3A_441, %parallel_loop3A_442], %parallel_loop3A_445 {strides = array<i32>} : memref<4x4x1024xf32, #tpu.memory_space<vmem>>, vector<1x1x16xf32>,
          %parallel_loop3A_446 = arith.constant 2 : i32
          %parallel_loop3A_447 = arith.constant 1 : i32
          %parallel_loop3A_448 = arith.constant 0 : i32
          %parallel_loop3A_449 = arith.constant 0 : i32
          %parallel_loop3A_450 = arith.constant 0 : i32
          %parallel_loop3A_451 = tpu.memref_slice %run_scoped3A[%rem3A_264, %parallel_loop3A_448, %parallel_loop3A_449, %parallel_loop3A_450] : memref<2x4x4x1024xf32, #tpu.memory_space<vmem>> -> memref<1x4x4x1024xf32, #tpu.memory_space<vmem>>
          %parallel_loop3A_452 = tpu.memref_squeeze %parallel_loop3A_451 : memref<1x4x4x1024xf32, #tpu.memory_space<vmem>> -> memref<4x4x1024xf32, #tpu.memory_space<vmem>>
          %parallel_loop3A_453 = arith.index_cast %parallel_loop3A_446 : i32 to index
          %parallel_loop3A_454 = arith.index_cast %parallel_loop3A_447 : i32 to index
          %parallel_loop3A_455 = arith.index_cast %parallel_loop3A_384 : i32 to index
          %parallel_loop3A_456 = tpu.vector_load %parallel_loop3A_452[%parallel_loop3A_453, %parallel_loop3A_454, %parallel_loop3A_455] {strides = array<i32>} : memref<4x4x1024xf32, #tpu.memory_space<vmem>>, vector<1x1x16xf32>,
          %parallel_loop3A_457 = vector.shape_cast %parallel_loop3A_456 : vector<1x1x16xf32> to vector<16xf32>
          %parallel_loop3A_458 = arith.addf %parallel_loop3A_457, %parallel_loop3A_393 : vector<16xf32>
          %parallel_loop3A_459 = arith.constant 2 : i32
          %parallel_loop3A_460 = arith.constant 1 : i32
          %parallel_loop3A_461 = arith.constant 0 : i32
          %parallel_loop3A_462 = arith.constant 0 : i32
          %parallel_loop3A_463 = arith.constant 0 : i32
          %parallel_loop3A_464 = tpu.memref_slice %run_scoped3A_10[%rem3A_268, %parallel_loop3A_461, %parallel_loop3A_462, %parallel_loop3A_463] : memref<2x4x4x1024xf32, #tpu.memory_space<vmem>> -> memref<1x4x4x1024xf32, #tpu.memory_space<vmem>>
          %parallel_loop3A_465 = tpu.memref_squeeze %parallel_loop3A_464 : memref<1x4x4x1024xf32, #tpu.memory_space<vmem>> -> memref<4x4x1024xf32, #tpu.memory_space<vmem>>
          %parallel_loop3A_466 = arith.index_cast %parallel_loop3A_459 : i32 to index
          %parallel_loop3A_467 = arith.index_cast %parallel_loop3A_460 : i32 to index
          %parallel_loop3A_468 = arith.index_cast %parallel_loop3A_384 : i32 to index
          %parallel_loop3A_469 = tpu.vector_load %parallel_loop3A_465[%parallel_loop3A_466, %parallel_loop3A_467, %parallel_loop3A_468] {strides = array<i32>} : memref<4x4x1024xf32, #tpu.memory_space<vmem>>, vector<1x1x16xf32>,
          %parallel_loop3A_470 = vector.shape_cast %parallel_loop3A_469 : vector<1x1x16xf32> to vector<16xf32>
          %parallel_loop3A_471 = vector.shape_cast %parallel_loop3A_458 : vector<16xf32> to vector<1x1x16xf32>
          tpu.vector_store %parallel_loop3A_465[%parallel_loop3A_466, %parallel_loop3A_467, %parallel_loop3A_468], %parallel_loop3A_471 {strides = array<i32>} : memref<4x4x1024xf32, #tpu.memory_space<vmem>>, vector<1x1x16xf32>,
          %parallel_loop3A_472 = arith.constant 3 : i32
          %parallel_loop3A_473 = arith.constant 1 : i32
          %parallel_loop3A_474 = arith.constant 0 : i32
          %parallel_loop3A_475 = arith.constant 0 : i32
          %parallel_loop3A_476 = arith.constant 0 : i32
          %parallel_loop3A_477 = tpu.memref_slice %run_scoped3A[%rem3A_264, %parallel_loop3A_474, %parallel_loop3A_475, %parallel_loop3A_476] : memref<2x4x4x1024xf32, #tpu.memory_space<vmem>> -> memref<1x4x4x1024xf32, #tpu.memory_space<vmem>>
          %parallel_loop3A_478 = tpu.memref_squeeze %parallel_loop3A_477 : memref<1x4x4x1024xf32, #tpu.memory_space<vmem>> -> memref<4x4x1024xf32, #tpu.memory_space<vmem>>
          %parallel_loop3A_479 = arith.index_cast %parallel_loop3A_472 : i32 to index
          %parallel_loop3A_480 = arith.index_cast %parallel_loop3A_473 : i32 to index
          %parallel_loop3A_481 = arith.index_cast %parallel_loop3A_384 : i32 to index
          %parallel_loop3A_482 = tpu.vector_load %parallel_loop3A_478[%parallel_loop3A_479, %parallel_loop3A_480, %parallel_loop3A_481] {strides = array<i32>} : memref<4x4x1024xf32, #tpu.memory_space<vmem>>, vector<1x1x16xf32>,
          %parallel_loop3A_483 = vector.shape_cast %parallel_loop3A_482 : vector<1x1x16xf32> to vector<16xf32>
          %parallel_loop3A_484 = arith.addf %parallel_loop3A_483, %parallel_loop3A_393 : vector<16xf32>
          %parallel_loop3A_485 = arith.constant 3 : i32
          %parallel_loop3A_486 = arith.constant 1 : i32
          %parallel_loop3A_487 = arith.constant 0 : i32
          %parallel_loop3A_488 = arith.constant 0 : i32
          %parallel_loop3A_489 = arith.constant 0 : i32
          %parallel_loop3A_490 = tpu.memref_slice %run_scoped3A_10[%rem3A_268, %parallel_loop3A_487, %parallel_loop3A_488, %parallel_loop3A_489] : memref<2x4x4x1024xf32, #tpu.memory_space<vmem>> -> memref<1x4x4x1024xf32, #tpu.memory_space<vmem>>
          %parallel_loop3A_491 = tpu.memref_squeeze %parallel_loop3A_490 : memref<1x4x4x1024xf32, #tpu.memory_space<vmem>> -> memref<4x4x1024xf32, #tpu.memory_space<vmem>>
          %parallel_loop3A_492 = arith.index_cast %parallel_loop3A_485 : i32 to index
          %parallel_loop3A_493 = arith.index_cast %parallel_loop3A_486 : i32 to index
          %parallel_loop3A_494 = arith.index_cast %parallel_loop3A_384 : i32 to index
          %parallel_loop3A_495 = tpu.vector_load %parallel_loop3A_491[%parallel_loop3A_492, %parallel_loop3A_493, %parallel_loop3A_494] {strides = array<i32>} : memref<4x4x1024xf32, #tpu.memory_space<vmem>>, vector<1x1x16xf32>,
          %parallel_loop3A_496 = vector.shape_cast %parallel_loop3A_495 : vector<1x1x16xf32> to vector<16xf32>
          %parallel_loop3A_497 = vector.shape_cast %parallel_loop3A_484 : vector<16xf32> to vector<1x1x16xf32>
          tpu.vector_store %parallel_loop3A_491[%parallel_loop3A_492, %parallel_loop3A_493, %parallel_loop3A_494], %parallel_loop3A_497 {strides = array<i32>} : memref<4x4x1024xf32, #tpu.memory_space<vmem>>, vector<1x1x16xf32>,
        } {sc.loop_unroll_factor = 8 : i64, sc.parallel_access}
        %parallel_loop3A_274 = arith.constant 0 : i32
        %parallel_loop3A_275 = arith.constant 1024 : i32
        %parallel_loop3A_276 = arith.constant 16 : i32
        scf.for %parallel_loop3A_384 = %parallel_loop3A_274 to %parallel_loop3A_275 step %parallel_loop3A_276  : i32 {
          %parallel_loop3A_385 = arith.constant 2 : i32
          %parallel_loop3A_386 = arith.constant 0 : i32
          %parallel_loop3A_387 = arith.constant 0 : i32
          %parallel_loop3A_388 = tpu.memref_slice %run_scoped3A_8[%rem3A_266, %parallel_loop3A_386, %parallel_loop3A_387] : memref<2x4x1024xf32, #tpu.memory_space<vmem>> -> memref<1x4x1024xf32, #tpu.memory_space<vmem>>
          %parallel_loop3A_389 = tpu.memref_squeeze %parallel_loop3A_388 : memref<1x4x1024xf32, #tpu.memory_space<vmem>> -> memref<4x1024xf32, #tpu.memory_space<vmem>>
          %parallel_loop3A_390 = arith.index_cast %parallel_loop3A_385 : i32 to index
          %parallel_loop3A_391 = arith.index_cast %parallel_loop3A_384 : i32 to index
          %parallel_loop3A_392 = tpu.vector_load %parallel_loop3A_389[%parallel_loop3A_390, %parallel_loop3A_391] {strides = array<i32>} : memref<4x1024xf32, #tpu.memory_space<vmem>>, vector<1x16xf32>,
          %parallel_loop3A_393 = vector.shape_cast %parallel_loop3A_392 : vector<1x16xf32> to vector<16xf32>
          %parallel_loop3A_394 = arith.constant 0 : i32
          %parallel_loop3A_395 = arith.constant 2 : i32
          %parallel_loop3A_396 = arith.constant 0 : i32
          %parallel_loop3A_397 = arith.constant 0 : i32
          %parallel_loop3A_398 = arith.constant 0 : i32
          %parallel_loop3A_399 = tpu.memref_slice %run_scoped3A[%rem3A_264, %parallel_loop3A_396, %parallel_loop3A_397, %parallel_loop3A_398] : memref<2x4x4x1024xf32, #tpu.memory_space<vmem>> -> memref<1x4x4x1024xf32, #tpu.memory_space<vmem>>
          %parallel_loop3A_400 = tpu.memref_squeeze %parallel_loop3A_399 : memref<1x4x4x1024xf32, #tpu.memory_space<vmem>> -> memref<4x4x1024xf32, #tpu.memory_space<vmem>>
          %parallel_loop3A_401 = arith.index_cast %parallel_loop3A_394 : i32 to index
          %parallel_loop3A_402 = arith.index_cast %parallel_loop3A_395 : i32 to index
          %parallel_loop3A_403 = arith.index_cast %parallel_loop3A_384 : i32 to index
          %parallel_loop3A_404 = tpu.vector_load %parallel_loop3A_400[%parallel_loop3A_401, %parallel_loop3A_402, %parallel_loop3A_403] {strides = array<i32>} : memref<4x4x1024xf32, #tpu.memory_space<vmem>>, vector<1x1x16xf32>,
          %parallel_loop3A_405 = vector.shape_cast %parallel_loop3A_404 : vector<1x1x16xf32> to vector<16xf32>
          %parallel_loop3A_406 = arith.addf %parallel_loop3A_405, %parallel_loop3A_393 : vector<16xf32>
          %parallel_loop3A_407 = arith.constant 0 : i32
          %parallel_loop3A_408 = arith.constant 2 : i32
          %parallel_loop3A_409 = arith.constant 0 : i32
          %parallel_loop3A_410 = arith.constant 0 : i32
          %parallel_loop3A_411 = arith.constant 0 : i32
          %parallel_loop3A_412 = tpu.memref_slice %run_scoped3A_10[%rem3A_268, %parallel_loop3A_409, %parallel_loop3A_410, %parallel_loop3A_411] : memref<2x4x4x1024xf32, #tpu.memory_space<vmem>> -> memref<1x4x4x1024xf32, #tpu.memory_space<vmem>>
          %parallel_loop3A_413 = tpu.memref_squeeze %parallel_loop3A_412 : memref<1x4x4x1024xf32, #tpu.memory_space<vmem>> -> memref<4x4x1024xf32, #tpu.memory_space<vmem>>
          %parallel_loop3A_414 = arith.index_cast %parallel_loop3A_407 : i32 to index
          %parallel_loop3A_415 = arith.index_cast %parallel_loop3A_408 : i32 to index
          %parallel_loop3A_416 = arith.index_cast %parallel_loop3A_384 : i32 to index
          %parallel_loop3A_417 = tpu.vector_load %parallel_loop3A_413[%parallel_loop3A_414, %parallel_loop3A_415, %parallel_loop3A_416] {strides = array<i32>} : memref<4x4x1024xf32, #tpu.memory_space<vmem>>, vector<1x1x16xf32>,
          %parallel_loop3A_418 = vector.shape_cast %parallel_loop3A_417 : vector<1x1x16xf32> to vector<16xf32>
          %parallel_loop3A_419 = vector.shape_cast %parallel_loop3A_406 : vector<16xf32> to vector<1x1x16xf32>
          tpu.vector_store %parallel_loop3A_413[%parallel_loop3A_414, %parallel_loop3A_415, %parallel_loop3A_416], %parallel_loop3A_419 {strides = array<i32>} : memref<4x4x1024xf32, #tpu.memory_space<vmem>>, vector<1x1x16xf32>,
          %parallel_loop3A_420 = arith.constant 1 : i32
          %parallel_loop3A_421 = arith.constant 2 : i32
          %parallel_loop3A_422 = arith.constant 0 : i32
          %parallel_loop3A_423 = arith.constant 0 : i32
          %parallel_loop3A_424 = arith.constant 0 : i32
          %parallel_loop3A_425 = tpu.memref_slice %run_scoped3A[%rem3A_264, %parallel_loop3A_422, %parallel_loop3A_423, %parallel_loop3A_424] : memref<2x4x4x1024xf32, #tpu.memory_space<vmem>> -> memref<1x4x4x1024xf32, #tpu.memory_space<vmem>>
          %parallel_loop3A_426 = tpu.memref_squeeze %parallel_loop3A_425 : memref<1x4x4x1024xf32, #tpu.memory_space<vmem>> -> memref<4x4x1024xf32, #tpu.memory_space<vmem>>
          %parallel_loop3A_427 = arith.index_cast %parallel_loop3A_420 : i32 to index
          %parallel_loop3A_428 = arith.index_cast %parallel_loop3A_421 : i32 to index
          %parallel_loop3A_429 = arith.index_cast %parallel_loop3A_384 : i32 to index
          %parallel_loop3A_430 = tpu.vector_load %parallel_loop3A_426[%parallel_loop3A_427, %parallel_loop3A_428, %parallel_loop3A_429] {strides = array<i32>} : memref<4x4x1024xf32, #tpu.memory_space<vmem>>, vector<1x1x16xf32>,
          %parallel_loop3A_431 = vector.shape_cast %parallel_loop3A_430 : vector<1x1x16xf32> to vector<16xf32>
          %parallel_loop3A_432 = arith.addf %parallel_loop3A_431, %parallel_loop3A_393 : vector<16xf32>
          %parallel_loop3A_433 = arith.constant 1 : i32
          %parallel_loop3A_434 = arith.constant 2 : i32
          %parallel_loop3A_435 = arith.constant 0 : i32
          %parallel_loop3A_436 = arith.constant 0 : i32
          %parallel_loop3A_437 = arith.constant 0 : i32
          %parallel_loop3A_438 = tpu.memref_slice %run_scoped3A_10[%rem3A_268, %parallel_loop3A_435, %parallel_loop3A_436, %parallel_loop3A_437] : memref<2x4x4x1024xf32, #tpu.memory_space<vmem>> -> memref<1x4x4x1024xf32, #tpu.memory_space<vmem>>
          %parallel_loop3A_439 = tpu.memref_squeeze %parallel_loop3A_438 : memref<1x4x4x1024xf32, #tpu.memory_space<vmem>> -> memref<4x4x1024xf32, #tpu.memory_space<vmem>>
          %parallel_loop3A_440 = arith.index_cast %parallel_loop3A_433 : i32 to index
          %parallel_loop3A_441 = arith.index_cast %parallel_loop3A_434 : i32 to index
          %parallel_loop3A_442 = arith.index_cast %parallel_loop3A_384 : i32 to index
          %parallel_loop3A_443 = tpu.vector_load %parallel_loop3A_439[%parallel_loop3A_440, %parallel_loop3A_441, %parallel_loop3A_442] {strides = array<i32>} : memref<4x4x1024xf32, #tpu.memory_space<vmem>>, vector<1x1x16xf32>,
          %parallel_loop3A_444 = vector.shape_cast %parallel_loop3A_443 : vector<1x1x16xf32> to vector<16xf32>
          %parallel_loop3A_445 = vector.shape_cast %parallel_loop3A_432 : vector<16xf32> to vector<1x1x16xf32>
          tpu.vector_store %parallel_loop3A_439[%parallel_loop3A_440, %parallel_loop3A_441, %parallel_loop3A_442], %parallel_loop3A_445 {strides = array<i32>} : memref<4x4x1024xf32, #tpu.memory_space<vmem>>, vector<1x1x16xf32>,
          %parallel_loop3A_446 = arith.constant 2 : i32
          %parallel_loop3A_447 = arith.constant 2 : i32
          %parallel_loop3A_448 = arith.constant 0 : i32
          %parallel_loop3A_449 = arith.constant 0 : i32
          %parallel_loop3A_450 = arith.constant 0 : i32
          %parallel_loop3A_451 = tpu.memref_slice %run_scoped3A[%rem3A_264, %parallel_loop3A_448, %parallel_loop3A_449, %parallel_loop3A_450] : memref<2x4x4x1024xf32, #tpu.memory_space<vmem>> -> memref<1x4x4x1024xf32, #tpu.memory_space<vmem>>
          %parallel_loop3A_452 = tpu.memref_squeeze %parallel_loop3A_451 : memref<1x4x4x1024xf32, #tpu.memory_space<vmem>> -> memref<4x4x1024xf32, #tpu.memory_space<vmem>>
          %parallel_loop3A_453 = arith.index_cast %parallel_loop3A_446 : i32 to index
          %parallel_loop3A_454 = arith.index_cast %parallel_loop3A_447 : i32 to index
          %parallel_loop3A_455 = arith.index_cast %parallel_loop3A_384 : i32 to index
          %parallel_loop3A_456 = tpu.vector_load %parallel_loop3A_452[%parallel_loop3A_453, %parallel_loop3A_454, %parallel_loop3A_455] {strides = array<i32>} : memref<4x4x1024xf32, #tpu.memory_space<vmem>>, vector<1x1x16xf32>,
          %parallel_loop3A_457 = vector.shape_cast %parallel_loop3A_456 : vector<1x1x16xf32> to vector<16xf32>
          %parallel_loop3A_458 = arith.addf %parallel_loop3A_457, %parallel_loop3A_393 : vector<16xf32>
          %parallel_loop3A_459 = arith.constant 2 : i32
          %parallel_loop3A_460 = arith.constant 2 : i32
          %parallel_loop3A_461 = arith.constant 0 : i32
          %parallel_loop3A_462 = arith.constant 0 : i32
          %parallel_loop3A_463 = arith.constant 0 : i32
          %parallel_loop3A_464 = tpu.memref_slice %run_scoped3A_10[%rem3A_268, %parallel_loop3A_461, %parallel_loop3A_462, %parallel_loop3A_463] : memref<2x4x4x1024xf32, #tpu.memory_space<vmem>> -> memref<1x4x4x1024xf32, #tpu.memory_space<vmem>>
          %parallel_loop3A_465 = tpu.memref_squeeze %parallel_loop3A_464 : memref<1x4x4x1024xf32, #tpu.memory_space<vmem>> -> memref<4x4x1024xf32, #tpu.memory_space<vmem>>
          %parallel_loop3A_466 = arith.index_cast %parallel_loop3A_459 : i32 to index
          %parallel_loop3A_467 = arith.index_cast %parallel_loop3A_460 : i32 to index
          %parallel_loop3A_468 = arith.index_cast %parallel_loop3A_384 : i32 to index
          %parallel_loop3A_469 = tpu.vector_load %parallel_loop3A_465[%parallel_loop3A_466, %parallel_loop3A_467, %parallel_loop3A_468] {strides = array<i32>} : memref<4x4x1024xf32, #tpu.memory_space<vmem>>, vector<1x1x16xf32>,
          %parallel_loop3A_470 = vector.shape_cast %parallel_loop3A_469 : vector<1x1x16xf32> to vector<16xf32>
          %parallel_loop3A_471 = vector.shape_cast %parallel_loop3A_458 : vector<16xf32> to vector<1x1x16xf32>
          tpu.vector_store %parallel_loop3A_465[%parallel_loop3A_466, %parallel_loop3A_467, %parallel_loop3A_468], %parallel_loop3A_471 {strides = array<i32>} : memref<4x4x1024xf32, #tpu.memory_space<vmem>>, vector<1x1x16xf32>,
          %parallel_loop3A_472 = arith.constant 3 : i32
          %parallel_loop3A_473 = arith.constant 2 : i32
          %parallel_loop3A_474 = arith.constant 0 : i32
          %parallel_loop3A_475 = arith.constant 0 : i32
          %parallel_loop3A_476 = arith.constant 0 : i32
          %parallel_loop3A_477 = tpu.memref_slice %run_scoped3A[%rem3A_264, %parallel_loop3A_474, %parallel_loop3A_475, %parallel_loop3A_476] : memref<2x4x4x1024xf32, #tpu.memory_space<vmem>> -> memref<1x4x4x1024xf32, #tpu.memory_space<vmem>>
          %parallel_loop3A_478 = tpu.memref_squeeze %parallel_loop3A_477 : memref<1x4x4x1024xf32, #tpu.memory_space<vmem>> -> memref<4x4x1024xf32, #tpu.memory_space<vmem>>
          %parallel_loop3A_479 = arith.index_cast %parallel_loop3A_472 : i32 to index
          %parallel_loop3A_480 = arith.index_cast %parallel_loop3A_473 : i32 to index
          %parallel_loop3A_481 = arith.index_cast %parallel_loop3A_384 : i32 to index
          %parallel_loop3A_482 = tpu.vector_load %parallel_loop3A_478[%parallel_loop3A_479, %parallel_loop3A_480, %parallel_loop3A_481] {strides = array<i32>} : memref<4x4x1024xf32, #tpu.memory_space<vmem>>, vector<1x1x16xf32>,
          %parallel_loop3A_483 = vector.shape_cast %parallel_loop3A_482 : vector<1x1x16xf32> to vector<16xf32>
          %parallel_loop3A_484 = arith.addf %parallel_loop3A_483, %parallel_loop3A_393 : vector<16xf32>
          %parallel_loop3A_485 = arith.constant 3 : i32
          %parallel_loop3A_486 = arith.constant 2 : i32
          %parallel_loop3A_487 = arith.constant 0 : i32
          %parallel_loop3A_488 = arith.constant 0 : i32
          %parallel_loop3A_489 = arith.constant 0 : i32
          %parallel_loop3A_490 = tpu.memref_slice %run_scoped3A_10[%rem3A_268, %parallel_loop3A_487, %parallel_loop3A_488, %parallel_loop3A_489] : memref<2x4x4x1024xf32, #tpu.memory_space<vmem>> -> memref<1x4x4x1024xf32, #tpu.memory_space<vmem>>
          %parallel_loop3A_491 = tpu.memref_squeeze %parallel_loop3A_490 : memref<1x4x4x1024xf32, #tpu.memory_space<vmem>> -> memref<4x4x1024xf32, #tpu.memory_space<vmem>>
          %parallel_loop3A_492 = arith.index_cast %parallel_loop3A_485 : i32 to index
          %parallel_loop3A_493 = arith.index_cast %parallel_loop3A_486 : i32 to index
          %parallel_loop3A_494 = arith.index_cast %parallel_loop3A_384 : i32 to index
          %parallel_loop3A_495 = tpu.vector_load %parallel_loop3A_491[%parallel_loop3A_492, %parallel_loop3A_493, %parallel_loop3A_494] {strides = array<i32>} : memref<4x4x1024xf32, #tpu.memory_space<vmem>>, vector<1x1x16xf32>,
          %parallel_loop3A_496 = vector.shape_cast %parallel_loop3A_495 : vector<1x1x16xf32> to vector<16xf32>
          %parallel_loop3A_497 = vector.shape_cast %parallel_loop3A_484 : vector<16xf32> to vector<1x1x16xf32>
          tpu.vector_store %parallel_loop3A_491[%parallel_loop3A_492, %parallel_loop3A_493, %parallel_loop3A_494], %parallel_loop3A_497 {strides = array<i32>} : memref<4x4x1024xf32, #tpu.memory_space<vmem>>, vector<1x1x16xf32>,
        } {sc.loop_unroll_factor = 8 : i64, sc.parallel_access}
        %parallel_loop3A_277 = arith.constant 0 : i32
        %parallel_loop3A_278 = arith.constant 1024 : i32
        %parallel_loop3A_279 = arith.constant 16 : i32
        scf.for %parallel_loop3A_384 = %parallel_loop3A_277 to %parallel_loop3A_278 step %parallel_loop3A_279  : i32 {
          %parallel_loop3A_385 = arith.constant 3 : i32
          %parallel_loop3A_386 = arith.constant 0 : i32
          %parallel_loop3A_387 = arith.constant 0 : i32
          %parallel_loop3A_388 = tpu.memref_slice %run_scoped3A_8[%rem3A_266, %parallel_loop3A_386, %parallel_loop3A_387] : memref<2x4x1024xf32, #tpu.memory_space<vmem>> -> memref<1x4x1024xf32, #tpu.memory_space<vmem>>
          %parallel_loop3A_389 = tpu.memref_squeeze %parallel_loop3A_388 : memref<1x4x1024xf32, #tpu.memory_space<vmem>> -> memref<4x1024xf32, #tpu.memory_space<vmem>>
          %parallel_loop3A_390 = arith.index_cast %parallel_loop3A_385 : i32 to index
          %parallel_loop3A_391 = arith.index_cast %parallel_loop3A_384 : i32 to index
          %parallel_loop3A_392 = tpu.vector_load %parallel_loop3A_389[%parallel_loop3A_390, %parallel_loop3A_391] {strides = array<i32>} : memref<4x1024xf32, #tpu.memory_space<vmem>>, vector<1x16xf32>,
          %parallel_loop3A_393 = vector.shape_cast %parallel_loop3A_392 : vector<1x16xf32> to vector<16xf32>
          %parallel_loop3A_394 = arith.constant 0 : i32
          %parallel_loop3A_395 = arith.constant 3 : i32
          %parallel_loop3A_396 = arith.constant 0 : i32
          %parallel_loop3A_397 = arith.constant 0 : i32
          %parallel_loop3A_398 = arith.constant 0 : i32
          %parallel_loop3A_399 = tpu.memref_slice %run_scoped3A[%rem3A_264, %parallel_loop3A_396, %parallel_loop3A_397, %parallel_loop3A_398] : memref<2x4x4x1024xf32, #tpu.memory_space<vmem>> -> memref<1x4x4x1024xf32, #tpu.memory_space<vmem>>
          %parallel_loop3A_400 = tpu.memref_squeeze %parallel_loop3A_399 : memref<1x4x4x1024xf32, #tpu.memory_space<vmem>> -> memref<4x4x1024xf32, #tpu.memory_space<vmem>>
          %parallel_loop3A_401 = arith.index_cast %parallel_loop3A_394 : i32 to index
          %parallel_loop3A_402 = arith.index_cast %parallel_loop3A_395 : i32 to index
          %parallel_loop3A_403 = arith.index_cast %parallel_loop3A_384 : i32 to index
          %parallel_loop3A_404 = tpu.vector_load %parallel_loop3A_400[%parallel_loop3A_401, %parallel_loop3A_402, %parallel_loop3A_403] {strides = array<i32>} : memref<4x4x1024xf32, #tpu.memory_space<vmem>>, vector<1x1x16xf32>,
          %parallel_loop3A_405 = vector.shape_cast %parallel_loop3A_404 : vector<1x1x16xf32> to vector<16xf32>
          %parallel_loop3A_406 = arith.addf %parallel_loop3A_405, %parallel_loop3A_393 : vector<16xf32>
          %parallel_loop3A_407 = arith.constant 0 : i32
          %parallel_loop3A_408 = arith.constant 3 : i32
          %parallel_loop3A_409 = arith.constant 0 : i32
          %parallel_loop3A_410 = arith.constant 0 : i32
          %parallel_loop3A_411 = arith.constant 0 : i32
          %parallel_loop3A_412 = tpu.memref_slice %run_scoped3A_10[%rem3A_268, %parallel_loop3A_409, %parallel_loop3A_410, %parallel_loop3A_411] : memref<2x4x4x1024xf32, #tpu.memory_space<vmem>> -> memref<1x4x4x1024xf32, #tpu.memory_space<vmem>>
          %parallel_loop3A_413 = tpu.memref_squeeze %parallel_loop3A_412 : memref<1x4x4x1024xf32, #tpu.memory_space<vmem>> -> memref<4x4x1024xf32, #tpu.memory_space<vmem>>
          %parallel_loop3A_414 = arith.index_cast %parallel_loop3A_407 : i32 to index
          %parallel_loop3A_415 = arith.index_cast %parallel_loop3A_408 : i32 to index
          %parallel_loop3A_416 = arith.index_cast %parallel_loop3A_384 : i32 to index
          %parallel_loop3A_417 = tpu.vector_load %parallel_loop3A_413[%parallel_loop3A_414, %parallel_loop3A_415, %parallel_loop3A_416] {strides = array<i32>} : memref<4x4x1024xf32, #tpu.memory_space<vmem>>, vector<1x1x16xf32>,
          %parallel_loop3A_418 = vector.shape_cast %parallel_loop3A_417 : vector<1x1x16xf32> to vector<16xf32>
          %parallel_loop3A_419 = vector.shape_cast %parallel_loop3A_406 : vector<16xf32> to vector<1x1x16xf32>
          tpu.vector_store %parallel_loop3A_413[%parallel_loop3A_414, %parallel_loop3A_415, %parallel_loop3A_416], %parallel_loop3A_419 {strides = array<i32>} : memref<4x4x1024xf32, #tpu.memory_space<vmem>>, vector<1x1x16xf32>,
          %parallel_loop3A_420 = arith.constant 1 : i32
          %parallel_loop3A_421 = arith.constant 3 : i32
          %parallel_loop3A_422 = arith.constant 0 : i32
          %parallel_loop3A_423 = arith.constant 0 : i32
          %parallel_loop3A_424 = arith.constant 0 : i32
          %parallel_loop3A_425 = tpu.memref_slice %run_scoped3A[%rem3A_264, %parallel_loop3A_422, %parallel_loop3A_423, %parallel_loop3A_424] : memref<2x4x4x1024xf32, #tpu.memory_space<vmem>> -> memref<1x4x4x1024xf32, #tpu.memory_space<vmem>>
          %parallel_loop3A_426 = tpu.memref_squeeze %parallel_loop3A_425 : memref<1x4x4x1024xf32, #tpu.memory_space<vmem>> -> memref<4x4x1024xf32, #tpu.memory_space<vmem>>
          %parallel_loop3A_427 = arith.index_cast %parallel_loop3A_420 : i32 to index
          %parallel_loop3A_428 = arith.index_cast %parallel_loop3A_421 : i32 to index
          %parallel_loop3A_429 = arith.index_cast %parallel_loop3A_384 : i32 to index
          %parallel_loop3A_430 = tpu.vector_load %parallel_loop3A_426[%parallel_loop3A_427, %parallel_loop3A_428, %parallel_loop3A_429] {strides = array<i32>} : memref<4x4x1024xf32, #tpu.memory_space<vmem>>, vector<1x1x16xf32>,
          %parallel_loop3A_431 = vector.shape_cast %parallel_loop3A_430 : vector<1x1x16xf32> to vector<16xf32>
          %parallel_loop3A_432 = arith.addf %parallel_loop3A_431, %parallel_loop3A_393 : vector<16xf32>
          %parallel_loop3A_433 = arith.constant 1 : i32
          %parallel_loop3A_434 = arith.constant 3 : i32
          %parallel_loop3A_435 = arith.constant 0 : i32
          %parallel_loop3A_436 = arith.constant 0 : i32
          %parallel_loop3A_437 = arith.constant 0 : i32
          %parallel_loop3A_438 = tpu.memref_slice %run_scoped3A_10[%rem3A_268, %parallel_loop3A_435, %parallel_loop3A_436, %parallel_loop3A_437] : memref<2x4x4x1024xf32, #tpu.memory_space<vmem>> -> memref<1x4x4x1024xf32, #tpu.memory_space<vmem>>
          %parallel_loop3A_439 = tpu.memref_squeeze %parallel_loop3A_438 : memref<1x4x4x1024xf32, #tpu.memory_space<vmem>> -> memref<4x4x1024xf32, #tpu.memory_space<vmem>>
          %parallel_loop3A_440 = arith.index_cast %parallel_loop3A_433 : i32 to index
          %parallel_loop3A_441 = arith.index_cast %parallel_loop3A_434 : i32 to index
          %parallel_loop3A_442 = arith.index_cast %parallel_loop3A_384 : i32 to index
          %parallel_loop3A_443 = tpu.vector_load %parallel_loop3A_439[%parallel_loop3A_440, %parallel_loop3A_441, %parallel_loop3A_442] {strides = array<i32>} : memref<4x4x1024xf32, #tpu.memory_space<vmem>>, vector<1x1x16xf32>,
          %parallel_loop3A_444 = vector.shape_cast %parallel_loop3A_443 : vector<1x1x16xf32> to vector<16xf32>
          %parallel_loop3A_445 = vector.shape_cast %parallel_loop3A_432 : vector<16xf32> to vector<1x1x16xf32>
          tpu.vector_store %parallel_loop3A_439[%parallel_loop3A_440, %parallel_loop3A_441, %parallel_loop3A_442], %parallel_loop3A_445 {strides = array<i32>} : memref<4x4x1024xf32, #tpu.memory_space<vmem>>, vector<1x1x16xf32>,
          %parallel_loop3A_446 = arith.constant 2 : i32
          %parallel_loop3A_447 = arith.constant 3 : i32
          %parallel_loop3A_448 = arith.constant 0 : i32
          %parallel_loop3A_449 = arith.constant 0 : i32
          %parallel_loop3A_450 = arith.constant 0 : i32
          %parallel_loop3A_451 = tpu.memref_slice %run_scoped3A[%rem3A_264, %parallel_loop3A_448, %parallel_loop3A_449, %parallel_loop3A_450] : memref<2x4x4x1024xf32, #tpu.memory_space<vmem>> -> memref<1x4x4x1024xf32, #tpu.memory_space<vmem>>
          %parallel_loop3A_452 = tpu.memref_squeeze %parallel_loop3A_451 : memref<1x4x4x1024xf32, #tpu.memory_space<vmem>> -> memref<4x4x1024xf32, #tpu.memory_space<vmem>>
          %parallel_loop3A_453 = arith.index_cast %parallel_loop3A_446 : i32 to index
          %parallel_loop3A_454 = arith.index_cast %parallel_loop3A_447 : i32 to index
          %parallel_loop3A_455 = arith.index_cast %parallel_loop3A_384 : i32 to index
          %parallel_loop3A_456 = tpu.vector_load %parallel_loop3A_452[%parallel_loop3A_453, %parallel_loop3A_454, %parallel_loop3A_455] {strides = array<i32>} : memref<4x4x1024xf32, #tpu.memory_space<vmem>>, vector<1x1x16xf32>,
          %parallel_loop3A_457 = vector.shape_cast %parallel_loop3A_456 : vector<1x1x16xf32> to vector<16xf32>
          %parallel_loop3A_458 = arith.addf %parallel_loop3A_457, %parallel_loop3A_393 : vector<16xf32>
          %parallel_loop3A_459 = arith.constant 2 : i32
          %parallel_loop3A_460 = arith.constant 3 : i32
          %parallel_loop3A_461 = arith.constant 0 : i32
          %parallel_loop3A_462 = arith.constant 0 : i32
          %parallel_loop3A_463 = arith.constant 0 : i32
          %parallel_loop3A_464 = tpu.memref_slice %run_scoped3A_10[%rem3A_268, %parallel_loop3A_461, %parallel_loop3A_462, %parallel_loop3A_463] : memref<2x4x4x1024xf32, #tpu.memory_space<vmem>> -> memref<1x4x4x1024xf32, #tpu.memory_space<vmem>>
          %parallel_loop3A_465 = tpu.memref_squeeze %parallel_loop3A_464 : memref<1x4x4x1024xf32, #tpu.memory_space<vmem>> -> memref<4x4x1024xf32, #tpu.memory_space<vmem>>
          %parallel_loop3A_466 = arith.index_cast %parallel_loop3A_459 : i32 to index
          %parallel_loop3A_467 = arith.index_cast %parallel_loop3A_460 : i32 to index
          %parallel_loop3A_468 = arith.index_cast %parallel_loop3A_384 : i32 to index
          %parallel_loop3A_469 = tpu.vector_load %parallel_loop3A_465[%parallel_loop3A_466, %parallel_loop3A_467, %parallel_loop3A_468] {strides = array<i32>} : memref<4x4x1024xf32, #tpu.memory_space<vmem>>, vector<1x1x16xf32>,
          %parallel_loop3A_470 = vector.shape_cast %parallel_loop3A_469 : vector<1x1x16xf32> to vector<16xf32>
          %parallel_loop3A_471 = vector.shape_cast %parallel_loop3A_458 : vector<16xf32> to vector<1x1x16xf32>
          tpu.vector_store %parallel_loop3A_465[%parallel_loop3A_466, %parallel_loop3A_467, %parallel_loop3A_468], %parallel_loop3A_471 {strides = array<i32>} : memref<4x4x1024xf32, #tpu.memory_space<vmem>>, vector<1x1x16xf32>,
          %parallel_loop3A_472 = arith.constant 3 : i32
          %parallel_loop3A_473 = arith.constant 3 : i32
          %parallel_loop3A_474 = arith.constant 0 : i32
          %parallel_loop3A_475 = arith.constant 0 : i32
          %parallel_loop3A_476 = arith.constant 0 : i32
          %parallel_loop3A_477 = tpu.memref_slice %run_scoped3A[%rem3A_264, %parallel_loop3A_474, %parallel_loop3A_475, %parallel_loop3A_476] : memref<2x4x4x1024xf32, #tpu.memory_space<vmem>> -> memref<1x4x4x1024xf32, #tpu.memory_space<vmem>>
          %parallel_loop3A_478 = tpu.memref_squeeze %parallel_loop3A_477 : memref<1x4x4x1024xf32, #tpu.memory_space<vmem>> -> memref<4x4x1024xf32, #tpu.memory_space<vmem>>
          %parallel_loop3A_479 = arith.index_cast %parallel_loop3A_472 : i32 to index
          %parallel_loop3A_480 = arith.index_cast %parallel_loop3A_473 : i32 to index
          %parallel_loop3A_481 = arith.index_cast %parallel_loop3A_384 : i32 to index
          %parallel_loop3A_482 = tpu.vector_load %parallel_loop3A_478[%parallel_loop3A_479, %parallel_loop3A_480, %parallel_loop3A_481] {strides = array<i32>} : memref<4x4x1024xf32, #tpu.memory_space<vmem>>, vector<1x1x16xf32>,
          %parallel_loop3A_483 = vector.shape_cast %parallel_loop3A_482 : vector<1x1x16xf32> to vector<16xf32>
          %parallel_loop3A_484 = arith.addf %parallel_loop3A_483, %parallel_loop3A_393 : vector<16xf32>
          %parallel_loop3A_485 = arith.constant 3 : i32
          %parallel_loop3A_486 = arith.constant 3 : i32
          %parallel_loop3A_487 = arith.constant 0 : i32
          %parallel_loop3A_488 = arith.constant 0 : i32
          %parallel_loop3A_489 = arith.constant 0 : i32
          %parallel_loop3A_490 = tpu.memref_slice %run_scoped3A_10[%rem3A_268, %parallel_loop3A_487, %parallel_loop3A_488, %parallel_loop3A_489] : memref<2x4x4x1024xf32, #tpu.memory_space<vmem>> -> memref<1x4x4x1024xf32, #tpu.memory_space<vmem>>
          %parallel_loop3A_491 = tpu.memref_squeeze %parallel_loop3A_490 : memref<1x4x4x1024xf32, #tpu.memory_space<vmem>> -> memref<4x4x1024xf32, #tpu.memory_space<vmem>>
          %parallel_loop3A_492 = arith.index_cast %parallel_loop3A_485 : i32 to index
          %parallel_loop3A_493 = arith.index_cast %parallel_loop3A_486 : i32 to index
          %parallel_loop3A_494 = arith.index_cast %parallel_loop3A_384 : i32 to index
          %parallel_loop3A_495 = tpu.vector_load %parallel_loop3A_491[%parallel_loop3A_492, %parallel_loop3A_493, %parallel_loop3A_494] {strides = array<i32>} : memref<4x4x1024xf32, #tpu.memory_space<vmem>>, vector<1x1x16xf32>,
          %parallel_loop3A_496 = vector.shape_cast %parallel_loop3A_495 : vector<1x1x16xf32> to vector<16xf32>
          %parallel_loop3A_497 = vector.shape_cast %parallel_loop3A_484 : vector<16xf32> to vector<1x1x16xf32>
          tpu.vector_store %parallel_loop3A_491[%parallel_loop3A_492, %parallel_loop3A_493, %parallel_loop3A_494], %parallel_loop3A_497 {strides = array<i32>} : memref<4x4x1024xf32, #tpu.memory_space<vmem>>, vector<1x1x16xf32>,
        } {sc.loop_unroll_factor = 8 : i64, sc.parallel_access}
        "tpu.trace_stop"() : () -> ()
        %ne3A_280 = arith.cmpi ne, %add3A_169, %add3A_187 : i32
        %or3A_281 = arith.constant false
        %or3A_282 = arith.ori %or3A_281, %ne3A_280 : i1
        %or3A_283 = arith.constant false
        %or3A_284 = arith.ori %or3A_282, %or3A_283 : i1
        %or3A_285 = arith.ori %or3A_284, %eq3A_168 : i1
        %convert_element_type3A_286 = arith.extui %or3A_285 : i1 to i32
        %cond3A_287 = arith.constant 0 : i32
        %cond3A_288 = arith.cmpi ne, %convert_element_type3A_286, %cond3A_287 : i32
        scf.if %cond3A_288 {
        } else {
        }
        %and3A_289 = arith.constant false
        %and3A_290 = arith.andi %or3A_285, %and3A_289 : i1
        %ne3A_291 = arith.cmpi ne, %add3A_169, %add3A_187 : i32
        %or3A_292 = arith.constant false
        %or3A_293 = arith.ori %or3A_292, %ne3A_291 : i1
        %or3A_294 = arith.constant false
        %or3A_295 = arith.ori %or3A_293, %or3A_294 : i1
        %or3A_296 = arith.ori %or3A_295, %eq3A_168 : i1
        %convert_element_type3A_297 = arith.extui %or3A_296 : i1 to i32
        %cond3A_298 = arith.constant 0 : i32
        %cond3A_299 = arith.cmpi ne, %convert_element_type3A_297, %cond3A_298 : i32
        scf.if %cond3A_299 {
        } else {
        }
        %and3A_300 = arith.constant false
        %and3A_301 = arith.andi %or3A_296, %and3A_300 : i1
        %ne3A_302 = arith.cmpi ne, %add3A_169, %add3A_187 : i32
        %or3A_303 = arith.constant false
        %or3A_304 = arith.ori %or3A_303, %ne3A_302 : i1
        %or3A_305 = arith.constant false
        %or3A_306 = arith.ori %or3A_304, %or3A_305 : i1
        %or3A_307 = arith.ori %or3A_306, %eq3A_168 : i1
        %convert_element_type3A_308 = arith.extui %or3A_307 : i1 to i32
        %cond3A_309 = arith.constant 0 : i32
        %cond3A_310 = arith.cmpi ne, %convert_element_type3A_308, %cond3A_309 : i32
        scf.if %cond3A_310 {
          "tpu.trace_start"() <{level = 10 : i32, message = "ep_copy_out"}> : () -> ()
          %rem3A_384 = arith.constant 2 : i32
          %rem3A_385 = arith.remui %scan3A_162, %rem3A_384 : i32
          %mul3A_386 = arith.constant 4 : i32
          %mul3A_387 = arith.muli %mul3A_386, %add3A_169 : i32
          %dma_start3A_388 = arith.constant 0 : i32
          %dma_start3A_389 = arith.constant 0 : i32
          %dma_start3A_390 = arith.constant 0 : i32
          %dma_start3A_391 = tpu.memref_slice %run_scoped3A_10[%rem3A_385, %dma_start3A_388, %dma_start3A_389, %dma_start3A_390] : memref<2x4x4x1024xf32, #tpu.memory_space<vmem>> -> memref<1x4x4x1024xf32, #tpu.memory_space<vmem>>
          %dma_start3A_392 = tpu.memref_squeeze %dma_start3A_391 : memref<1x4x4x1024xf32, #tpu.memory_space<vmem>> -> memref<4x4x1024xf32, #tpu.memory_space<vmem>>
          %dma_start3A_393 = arith.constant 0 : i32
          %dma_start3A_394 = arith.constant 0 : i32
          %dma_start3A_395 = tpu.memref_slice %arg4[%dma_start3A_393, %mul3A_387, %dma_start3A_394] : memref<4x4096x1024xf32, #tpu.memory_space<hbm>> -> memref<4x4x1024xf32, #tpu.memory_space<hbm>>
          %dma_start3A_396 = tpu.memref_slice %run_scoped3A_11[%rem3A_385] : memref<2x!tpu.dma_semaphore, #tpu.memory_space<semaphore_mem>> -> memref<1x!tpu.dma_semaphore, #tpu.memory_space<semaphore_mem>>
          %dma_start3A_397 = tpu.memref_squeeze %dma_start3A_396 : memref<1x!tpu.dma_semaphore, #tpu.memory_space<semaphore_mem>> -> memref<!tpu.dma_semaphore, #tpu.memory_space<semaphore_mem>>
          %dma_start3A_398 = arith.constant 0 : i32
          %dma_start3A_399 = arith.constant 0 : i32
          %dma_start3A_400 = tpu.memref_slice %arg4[%dma_start3A_398, %mul3A_387, %dma_start3A_399] : memref<4x4096x1024xf32, #tpu.memory_space<hbm>> -> memref<4x4x1024xf32, #tpu.memory_space<hbm>>
          %dma_start3A_401 = arith.constant 0 : i32
          %dma_start3A_402 = arith.constant 0 : i32
          %dma_start3A_403 = arith.constant 0 : i32
          %dma_start3A_404 = tpu.memref_slice %run_scoped3A_10[%rem3A_385, %dma_start3A_401, %dma_start3A_402, %dma_start3A_403] : memref<2x4x4x1024xf32, #tpu.memory_space<vmem>> -> memref<1x4x4x1024xf32, #tpu.memory_space<vmem>>
          %dma_start3A_405 = tpu.memref_squeeze %dma_start3A_404 : memref<1x4x4x1024xf32, #tpu.memory_space<vmem>> -> memref<4x4x1024xf32, #tpu.memory_space<vmem>>
          tpu.enqueue_dma source(%dma_start3A_405 : memref<4x4x1024xf32, #tpu.memory_space<vmem>>) target(%dma_start3A_400 : memref<4x4x1024xf32, #tpu.memory_space<hbm>>) target_semaphore(%dma_start3A_397 : memref<!tpu.dma_semaphore, #tpu.memory_space<semaphore_mem>>)
          "tpu.trace_stop"() : () -> ()
        } else {
        }
        %and3A_311 = arith.constant true
        %and3A_312 = arith.andi %or3A_307, %and3A_311 : i1
        %add3A_313 = arith.constant 1 : i32
        %add3A_314 = arith.addi %scan3A_162, %add3A_313 : i32
        %select_n3A_315 = arith.select %and3A_312, %add3A_314, %scan3A_162 : i32
        %ne3A_316 = arith.cmpi ne, %add3A_169, %add3A_178 : i32
        %or3A_317 = arith.constant false
        %or3A_318 = arith.ori %or3A_317, %ne3A_316 : i1
        %or3A_319 = arith.constant false
        %or3A_320 = arith.ori %or3A_318, %or3A_319 : i1
        %not3A_321 = arith.constant true
        %not3A_322 = arith.xori %eq3A_166, %not3A_321 : i1
        %and3A_323 = arith.andi %or3A_320, %not3A_322 : i1
        %convert_element_type3A_324 = arith.extui %and3A_323 : i1 to i32
        %cond3A_325 = arith.constant 0 : i32
        %cond3A_326 = arith.cmpi ne, %convert_element_type3A_324, %cond3A_325 : i32
        scf.if %cond3A_326 {
        } else {
        }
        %and3A_327 = arith.constant false
        %and3A_328 = arith.andi %and3A_323, %and3A_327 : i1
        %ne3A_329 = arith.cmpi ne, %add3A_169, %add3A_178 : i32
        %or3A_330 = arith.constant false
        %or3A_331 = arith.ori %or3A_330, %ne3A_329 : i1
        %or3A_332 = arith.constant false
        %or3A_333 = arith.ori %or3A_331, %or3A_332 : i1
        %not3A_334 = arith.constant true
        %not3A_335 = arith.xori %eq3A_166, %not3A_334 : i1
        %and3A_336 = arith.andi %or3A_333, %not3A_335 : i1
        %convert_element_type3A_337 = arith.extui %and3A_336 : i1 to i32
        %cond3A_338 = arith.constant 0 : i32
        %cond3A_339 = arith.cmpi ne, %convert_element_type3A_337, %cond3A_338 : i32
        scf.if %cond3A_339 {
        } else {
        }
        %and3A_340 = arith.constant false
        %and3A_341 = arith.andi %and3A_336, %and3A_340 : i1
        %ne3A_342 = arith.cmpi ne, %add3A_169, %add3A_178 : i32
        %or3A_343 = arith.constant false
        %or3A_344 = arith.ori %or3A_343, %ne3A_342 : i1
        %or3A_345 = arith.constant false
        %or3A_346 = arith.ori %or3A_344, %or3A_345 : i1
        %not3A_347 = arith.constant true
        %not3A_348 = arith.xori %eq3A_166, %not3A_347 : i1
        %and3A_349 = arith.andi %or3A_346, %not3A_348 : i1
        %convert_element_type3A_350 = arith.extui %and3A_349 : i1 to i32
        %cond3A_351 = arith.constant 0 : i32
        %cond3A_352 = arith.cmpi ne, %convert_element_type3A_350, %cond3A_351 : i32
        scf.if %cond3A_352 {
          "tpu.trace_start"() <{level = 10 : i32, message = "ep_wait_out"}> : () -> ()
          %rem3A_384 = arith.constant 2 : i32
          %rem3A_385 = arith.remui %scan3A_163, %rem3A_384 : i32
          %mul3A_386 = arith.constant 4 : i32
          %mul3A_387 = arith.muli %mul3A_386, %add3A_178 : i32
          %dma_wait3A_388 = arith.constant 0 : i32
          %dma_wait3A_389 = arith.constant 0 : i32
          %dma_wait3A_390 = arith.constant 0 : i32
          %dma_wait3A_391 = tpu.memref_slice %run_scoped3A_10[%rem3A_385, %dma_wait3A_388, %dma_wait3A_389, %dma_wait3A_390] : memref<2x4x4x1024xf32, #tpu.memory_space<vmem>> -> memref<1x4x4x1024xf32, #tpu.memory_space<vmem>>
          %dma_wait3A_392 = tpu.memref_squeeze %dma_wait3A_391 : memref<1x4x4x1024xf32, #tpu.memory_space<vmem>> -> memref<4x4x1024xf32, #tpu.memory_space<vmem>>
          %dma_wait3A_393 = arith.constant 0 : i32
          %dma_wait3A_394 = arith.constant 0 : i32
          %dma_wait3A_395 = tpu.memref_slice %arg4[%dma_wait3A_393, %mul3A_387, %dma_wait3A_394] : memref<4x4096x1024xf32, #tpu.memory_space<hbm>> -> memref<4x4x1024xf32, #tpu.memory_space<hbm>>
          %dma_wait3A_396 = tpu.memref_slice %run_scoped3A_11[%rem3A_385] : memref<2x!tpu.dma_semaphore, #tpu.memory_space<semaphore_mem>> -> memref<1x!tpu.dma_semaphore, #tpu.memory_space<semaphore_mem>>
          %dma_wait3A_397 = tpu.memref_squeeze %dma_wait3A_396 : memref<1x!tpu.dma_semaphore, #tpu.memory_space<semaphore_mem>> -> memref<!tpu.dma_semaphore, #tpu.memory_space<semaphore_mem>>
          %dma_wait3A_398 = arith.constant 0 : i32
          %dma_wait3A_399 = arith.constant 0 : i32
          %dma_wait3A_400 = tpu.memref_slice %arg4[%dma_wait3A_398, %mul3A_387, %dma_wait3A_399] : memref<4x4096x1024xf32, #tpu.memory_space<hbm>> -> memref<4x4x1024xf32, #tpu.memory_space<hbm>>
          %dma_wait3A_401 = arith.constant 0 : i32
          %dma_wait3A_402 = arith.constant 0 : i32
          %dma_wait3A_403 = arith.constant 0 : i32
          %dma_wait3A_404 = tpu.memref_slice %run_scoped3A_10[%rem3A_385, %dma_wait3A_401, %dma_wait3A_402, %dma_wait3A_403] : memref<2x4x4x1024xf32, #tpu.memory_space<vmem>> -> memref<1x4x4x1024xf32, #tpu.memory_space<vmem>>
          %dma_wait3A_405 = tpu.memref_squeeze %dma_wait3A_404 : memref<1x4x4x1024xf32, #tpu.memory_space<vmem>> -> memref<4x4x1024xf32, #tpu.memory_space<vmem>>
          tpu.wait_dma2 semaphore(%dma_wait3A_397 : memref<!tpu.dma_semaphore, #tpu.memory_space<semaphore_mem>>) src(%dma_wait3A_405 : memref<4x4x1024xf32, #tpu.memory_space<vmem>>) dst(%dma_wait3A_400 : memref<4x4x1024xf32, #tpu.memory_space<hbm>>)
          "tpu.trace_stop"() : () -> ()
        } else {
        }
        %and3A_353 = arith.constant true
        %and3A_354 = arith.andi %and3A_349, %and3A_353 : i1
        %add3A_355 = arith.constant 1 : i32
        %add3A_356 = arith.addi %scan3A_163, %add3A_355 : i32
        %select_n3A_357 = arith.select %and3A_354, %add3A_356, %scan3A_163 : i32
        %ne3A_358 = arith.cmpi ne, %add3A_169, %add3A_187 : i32
        %or3A_359 = arith.constant false
        %or3A_360 = arith.ori %or3A_359, %ne3A_358 : i1
        %or3A_361 = arith.constant false
        %or3A_362 = arith.ori %or3A_360, %or3A_361 : i1
        %or3A_363 = arith.ori %or3A_362, %eq3A_168 : i1
        %add3A_364 = arith.constant 1 : i32
        %add3A_365 = arith.addi %scan3A_159, %add3A_364 : i32
        %select_n3A_366 = arith.select %or3A_363, %add3A_365, %scan3A_159 : i32
        %ne3A_367 = arith.cmpi ne, %add3A_169, %add3A_187 : i32
        %or3A_368 = arith.constant false
        %or3A_369 = arith.ori %or3A_368, %ne3A_367 : i1
        %or3A_370 = arith.constant false
        %or3A_371 = arith.ori %or3A_369, %or3A_370 : i1
        %or3A_372 = arith.ori %or3A_371, %eq3A_168 : i1
        %add3A_373 = arith.constant 1 : i32
        %add3A_374 = arith.addi %scan3A_161, %add3A_373 : i32
        %select_n3A_375 = arith.select %or3A_372, %add3A_374, %scan3A_161 : i32
        %add3A_376 = arith.constant 1 : i32
        %add3A_377 = arith.addi %scan3A_164, %add3A_376 : i32
        %select_n3A_378 = arith.constant true
        %select_n3A_379 = arith.select %select_n3A_378, %add3A_377, %scan3A_164 : i32
        %eq3A_380 = arith.constant 32 : i32
        %eq3A_381 = arith.cmpi eq, %select_n3A_379, %eq3A_380 : i32
        %select_n3A_382 = arith.constant 0 : i32
        %select_n3A_383 = arith.select %eq3A_381, %select_n3A_382, %select_n3A_379 : i32
        scf.yield %select_n3A_207, %select_n3A_366, %select_n3A_225, %select_n3A_375, %select_n3A_315, %select_n3A_357, %select_n3A_383 : i32, i32, i32, i32, i32, i32, i32
      }
      %scan3A_100 = arith.constant 32 : i32
      %sub3A = arith.constant 1 : i32
      %sub3A_101 = arith.subi %scan3A_99#6, %sub3A : i32
      %select_n3A_102 = arith.constant true
      %select_n3A_103 = arith.select %select_n3A_102, %sub3A_101, %scan3A_99#6 : i32
      %eq3A_104 = arith.constant -1 : i32
      %eq3A_105 = arith.cmpi eq, %select_n3A_103, %eq3A_104 : i32
      %select_n3A_106 = arith.constant 31 : i32
      %select_n3A_107 = arith.select %eq3A_105, %select_n3A_106, %select_n3A_103 : i32
      %add3A_108 = arith.addi %select_n3A_107, %mul3A_6 : i32
      %sub3A_109 = arith.constant 1 : i32
      %sub3A_110 = arith.subi %select_n3A_107, %sub3A_109 : i32
      %select_n3A_111 = arith.constant true
      %select_n3A_112 = arith.select %select_n3A_111, %sub3A_110, %select_n3A_107 : i32
      %eq3A_113 = arith.constant -1 : i32
      %eq3A_114 = arith.cmpi eq, %select_n3A_112, %eq3A_113 : i32
      %select_n3A_115 = arith.constant 31 : i32
      %select_n3A_116 = arith.select %eq3A_114, %select_n3A_115, %select_n3A_112 : i32
      %add3A_117 = arith.addi %select_n3A_116, %mul3A_6 : i32
      %add3A_118 = arith.constant 1 : i32
      %add3A_119 = arith.addi %select_n3A_107, %add3A_118 : i32
      %select_n3A_120 = arith.constant true
      %select_n3A_121 = arith.select %select_n3A_120, %add3A_119, %select_n3A_107 : i32
      %eq3A_122 = arith.constant 32 : i32
      %eq3A_123 = arith.cmpi eq, %select_n3A_121, %eq3A_122 : i32
      %select_n3A_124 = arith.constant 0 : i32
      %select_n3A_125 = arith.select %eq3A_123, %select_n3A_124, %select_n3A_121 : i32
      %add3A_126 = arith.addi %select_n3A_125, %mul3A_6 : i32
      %add3A_127 = arith.constant 1 : i32
      %add3A_128 = arith.addi %select_n3A_125, %add3A_127 : i32
      %select_n3A_129 = arith.constant true
      %select_n3A_130 = arith.select %select_n3A_129, %add3A_128, %select_n3A_125 : i32
      %eq3A_131 = arith.constant 32 : i32
      %eq3A_132 = arith.cmpi eq, %select_n3A_130, %eq3A_131 : i32
      %select_n3A_133 = arith.constant 0 : i32
      %select_n3A_134 = arith.select %eq3A_132, %select_n3A_133, %select_n3A_130 : i32
      %add3A_135 = arith.addi %select_n3A_134, %mul3A_6 : i32
      "tpu.trace_start"() <{level = 10 : i32, message = "ep_finalize"}> : () -> ()
      %rem3A_136 = arith.constant 2 : i32
      %rem3A_137 = arith.remui %scan3A_99#5, %rem3A_136 : i32
      %mul3A_138 = arith.constant 4 : i32
      %mul3A_139 = arith.muli %mul3A_138, %add3A_108 : i32
      %dma_wait3A = arith.constant 0 : i32
      %dma_wait3A_140 = arith.constant 0 : i32
      %dma_wait3A_141 = arith.constant 0 : i32
      %dma_wait3A_142 = tpu.memref_slice %run_scoped3A_10[%rem3A_137, %dma_wait3A, %dma_wait3A_140, %dma_wait3A_141] : memref<2x4x4x1024xf32, #tpu.memory_space<vmem>> -> memref<1x4x4x1024xf32, #tpu.memory_space<vmem>>
      %dma_wait3A_143 = tpu.memref_squeeze %dma_wait3A_142 : memref<1x4x4x1024xf32, #tpu.memory_space<vmem>> -> memref<4x4x1024xf32, #tpu.memory_space<vmem>>
      %dma_wait3A_144 = arith.constant 0 : i32
      %dma_wait3A_145 = arith.constant 0 : i32
      %dma_wait3A_146 = tpu.memref_slice %arg4[%dma_wait3A_144, %mul3A_139, %dma_wait3A_145] : memref<4x4096x1024xf32, #tpu.memory_space<hbm>> -> memref<4x4x1024xf32, #tpu.memory_space<hbm>>
      %dma_wait3A_147 = tpu.memref_slice %run_scoped3A_11[%rem3A_137] : memref<2x!tpu.dma_semaphore, #tpu.memory_space<semaphore_mem>> -> memref<1x!tpu.dma_semaphore, #tpu.memory_space<semaphore_mem>>
      %dma_wait3A_148 = tpu.memref_squeeze %dma_wait3A_147 : memref<1x!tpu.dma_semaphore, #tpu.memory_space<semaphore_mem>> -> memref<!tpu.dma_semaphore, #tpu.memory_space<semaphore_mem>>
      %dma_wait3A_149 = arith.constant 0 : i32
      %dma_wait3A_150 = arith.constant 0 : i32
      %dma_wait3A_151 = tpu.memref_slice %arg4[%dma_wait3A_149, %mul3A_139, %dma_wait3A_150] : memref<4x4096x1024xf32, #tpu.memory_space<hbm>> -> memref<4x4x1024xf32, #tpu.memory_space<hbm>>
      %dma_wait3A_152 = arith.constant 0 : i32
      %dma_wait3A_153 = arith.constant 0 : i32
      %dma_wait3A_154 = arith.constant 0 : i32
      %dma_wait3A_155 = tpu.memref_slice %run_scoped3A_10[%rem3A_137, %dma_wait3A_152, %dma_wait3A_153, %dma_wait3A_154] : memref<2x4x4x1024xf32, #tpu.memory_space<vmem>> -> memref<1x4x4x1024xf32, #tpu.memory_space<vmem>>
      %dma_wait3A_156 = tpu.memref_squeeze %dma_wait3A_155 : memref<1x4x4x1024xf32, #tpu.memory_space<vmem>> -> memref<4x4x1024xf32, #tpu.memory_space<vmem>>
      tpu.wait_dma2 semaphore(%dma_wait3A_148 : memref<!tpu.dma_semaphore, #tpu.memory_space<semaphore_mem>>) src(%dma_wait3A_156 : memref<4x4x1024xf32, #tpu.memory_space<vmem>>) dst(%dma_wait3A_151 : memref<4x4x1024xf32, #tpu.memory_space<hbm>>)
      "tpu.trace_stop"() : () -> ()
      tpu.yield
    }) : () -> ()
    return
  }
}

</mosaic_0001>

<sc_bundles>
// kernel: kernel.3.cloned.1.call-start
scs
__scs_entry_jumppad:
0x0: {  	(pc) =	sbr.rel $0x88, $3  }
0x1: {  	(tag) =	ssettag $0x0;
	lr =	simm.s32 $0x1  }
0x2: {  	[smem:$0x3F9F] =	sst lr;
	_ =	strace $0xD0000000  }
0x3: {  	_ = 	snop  }
0x4: {  	_ = 	snop  }
0x5: {  	_ = 	snop  }
0x6: {  	_ = 	snop  }
0x7: {  	_ = 	snop  }
__scs_overlays_trampoline_lowered:
0x8: {  	[smem:$0x3FAE] =	sst s0  }
0x9: {  	[smem:$0x3FAF] =	sst s1  }
0xa: {  	[smem:$0x3FB0] =	sst s2  }
0xb: {  	[smem:$0x3FB1] =	sst s3  }
0xc: {  	[smem:$0x3FB2] =	sst s4  }
0xd: {  	[smem:$0x3FB3] =	sst s5  }
0xe: {  	[smem:$0x3FB4] =	sst s6  }
0xf: {  	[smem:$0x3FB5] =	sst s7  }
0x10: {  	[smem:$0x3FB6] =	sst s8  }
0x11: {  	[smem:$0x3FB7] =	sst s9;
	s0 =	simm.s32 @!p0 $0x0  }
0x12: {  	s1 =	sld [smem:$0x3F9D];
	s0 =	simm.s32 @p0 $0x1  }
0x13: {  	[smem:$0x3FB8] =	sst s0;
	s0 =	simm.s32 @!p1 $0x0  }
0x14: {  	s2 =	sld [smem:$0x3F9C];
	s0 =	simm.s32 @p1 $0x1  }
0x15: {  	[smem:$0x3FB9] =	sst s0;
	s0 =	simm.s32 @!p2 $0x0  }
0x16: {  	s3 =	sld [smem:$0x3FDB];
	s0 =	simm.s32 @p2 $0x1  }
0x17: {  	s4 =	simm.s32 $0x1BF5;
	[smem:$0x3FBB] =	sst s0  }
0x18: {  	s0 =	sld [smem:$0x3F9E];
	_ =	swait.ge [sflag:s4], $0x0  }
0x19: {  	s7 =	sld [smem:$0x3F9F]  }
0x1a: {  	s8 =	sadd.s32 $0xFFFFE003, lr  }
0x1b: {  	s9 =	sadd.s32 $0xFFFFFEF7, lr;
	s5 =	simm.s32 $0xFFFFFFFF;
	p2 =	slt.u32 s8, $0xFFFFF086  }
0x1c: {  	p1 =	slt.u32 s9, $0xF7A;
	s5 =	simm.s32 @!p2 $0x0  }
0x1d: {  	s5 =	simm.s32 @p1 $0x1;
	p0 =	seq.s32 s7, s2  }
0x1e: {  	s7 =	smul.u32 @!p0 $0xF7A, s2;
	p2 =	seq.s32 @!p0 s5, $0x0  }
0x1f: {  	s9 =	smul.u32 $0xF7A, s1;
	s8 =	simm.s32 @!p0 $0x1BF5;
	p2 =	por !p2, p0  }
0x20: {  	[sflag:s8] =	ssyncset.s32 @!p0 $0xFFFFF086;
	s6 =	sadd.s32 @!p0 s3, s7;
	s7 =	simm.s32 @!p0 $0x108  }
0x21: {  	s3 =	sadd.s32 s3, s9;
	s6 =	sadd.s32 @!p0 $0x88, s6;
	s7 =	simm.s32 @p2 $0x1082  }
0x22: {  	[simem:s7], [sflag:s8] =	dma.local @!p0 [hbm:s6], $0xF7A  }
0x23: {  	s9 =	sor.u32 $0xD0000000, s2;
	s6 =	simm.s32 $0x108;
	_ =	swait.ge @!p0 [sflag:s8], $0x0  }
0x24: {  	s3 =	sadd.s32 $0x88, s3;
	s6 =	simm.s32 @!p1 $0x1082;
	[sflag:s4] =	ssyncset.s32 $0xFFFFF086  }
0x25: {  	[simem:s6], [sflag:s4] =	dma.local [hbm:s3], $0xF7A  }
0x26: {  	[smem:$0x3F9F] =	sst s1;
	(tag) =	ssettag s2;
	_ =	strace s9  }
0x27: {  	s1 =	sld [smem:$0x3FAF]  }
0x28: {  	s2 =	sld [smem:$0x3FB0]  }
0x29: {  	s4 =	sld [smem:$0x3FB2]  }
0x2a: {  	p0 =	seq.s32 s5, $0x0;
	s5 =	sld [smem:$0x3FB3]  }
0x2b: {  	s6 =	sld [smem:$0x3FB4]  }
0x2c: {  	s7 =	sld [smem:$0x3FB5]  }
0x2d: {  	s3 =	simm.s32 $0x108;
	s8 =	sld [smem:$0x3FB6]  }
0x2e: {  	s3 =	simm.s32 @!p0 $0x1082;
	s9 =	sld [smem:$0x3FB7]  }
0x2f: {  	lr =	sadd.s32 s0, s3;
	s0 =	sld [smem:$0x3FAE]  }
0x30: {  	s3 =	sld [smem:$0x3FB1]  }
0x31: {  	[smem:$0x3FBA] =	sst s10  }
0x32: {  	s10 =	sld [smem:$0x3FB8];
	_ =	sdelay $0x3  }
0x33: {  	p0 =	seq.s32 s10, $0x1;
	s10 =	sld [smem:$0x3FBA];
	_ =	sdelay $0x3  }
0x34: {  	[smem:$0x3FBA] =	sst s10  }
0x35: {  	s10 =	sld [smem:$0x3FB9];
	_ =	sdelay $0x3  }
0x36: {  	p1 =	seq.s32 s10, $0x1;
	s10 =	sld [smem:$0x3FBA];
	_ =	sdelay $0x3  }
0x37: {  	[smem:$0x3FBA] =	sst s10  }
0x38: {  	s10 =	sld [smem:$0x3FBB]  }
0x39: {  	_ = 	snop;
	(pc) =	sbr.ind lr, $3  }
0x3a: {  	_ = 	snop  }
0x3b: {  	_ = 	snop  }
0x3c: {  	p2 =	seq.s32 s10, $0x1;
	s10 =	sld [smem:$0x3FBA]  }
0x3d: {  	_ =	shalt  }
0x3e: {  	_ =	shalt  }
0x3f: {  	_ =	shalt  }
0x40: {  	_ =	shalt  }
0x41: {  	_ =	shalt  }
0x42: {  	_ =	shalt  }
0x43: {  	_ =	shalt  }
0x44: {  	_ =	shalt  }
0x45: {  	_ =	shalt  }
0x46: {  	_ =	shalt  }
0x47: {  	_ =	shalt  }
0x48: {  	_ =	shalt  }
0x49: {  	_ =	shalt  }
0x4a: {  	_ =	shalt  }
0x4b: {  	_ =	shalt  }
0x4c: {  	_ =	shalt  }
0x4d: {  	_ =	shalt  }
0x4e: {  	_ =	shalt  }
0x4f: {  	_ =	shalt  }
0x50: {  	_ =	shalt  }
0x51: {  	_ =	shalt  }
0x52: {  	_ =	shalt  }
0x53: {  	_ =	shalt  }
0x54: {  	_ =	shalt  }
0x55: {  	_ =	shalt  }
0x56: {  	_ =	shalt  }
0x57: {  	_ =	shalt  }
0x58: {  	_ =	shalt  }
0x59: {  	_ =	shalt  }
0x5a: {  	_ =	shalt  }
0x5b: {  	_ =	shalt  }
0x5c: {  	_ =	shalt  }
0x5d: {  	_ =	shalt  }
0x5e: {  	_ =	shalt  }
0x5f: {  	_ =	shalt  }
0x60: {  	_ =	shalt  }
0x61: {  	_ =	shalt  }
0x62: {  	_ =	shalt  }
0x63: {  	_ =	shalt  }
0x64: {  	_ =	shalt  }
0x65: {  	_ =	shalt  }
0x66: {  	_ =	shalt  }
0x67: {  	_ =	shalt  }
0x68: {  	_ =	shalt  }
0x69: {  	_ =	shalt  }
0x6a: {  	_ =	shalt  }
0x6b: {  	_ =	shalt  }
0x6c: {  	_ =	shalt  }
0x6d: {  	_ =	shalt  }
0x6e: {  	_ =	shalt  }
0x6f: {  	_ =	shalt  }
0x70: {  	_ =	shalt  }
0x71: {  	_ =	shalt  }
0x72: {  	_ =	shalt  }
0x73: {  	_ =	shalt  }
0x74: {  	_ =	shalt  }
0x75: {  	_ =	shalt  }
0x76: {  	_ =	shalt  }
0x77: {  	_ =	shalt  }
0x78: {  	_ =	shalt  }
0x79: {  	_ =	shalt  }
0x7a: {  	_ =	shalt  }
0x7b: {  	_ =	shalt  }
0x7c: {  	_ =	shalt  }
0x7d: {  	_ =	shalt  }
0x7e: {  	_ =	shalt  }
0x7f: {  	_ =	shalt  }
0x80: {  	_ =	shalt  }
0x81: {  	_ =	shalt  }
0x82: {  	_ =	shalt  }
0x83: {  	_ =	shalt  }
0x84: {  	_ =	shalt  }
0x85: {  	_ =	shalt  }
0x86: {  	_ =	shalt  }
0x87: {  	_ =	shalt  }
.Lfunc_end0:
.L_simem_size_0:
called_computation_lowered:
.L_overlay_start_0:
0x88: {  	s2 =	sld [smem:$0x3FD9]  }
0x89: {  	s3 =	sld [smem:$0x3FFE];
	_ =	sdelay $0x1  }
0x8a: {  	s1 =	srdreg.scid  }
0x8b: {  	s0 =	sand.u32 $0x1, s1  }
0x8c: {  	s17 =	sshll.u32 s0, $0xA;
	s2 =	sadd.s32 s3, s2  }
0x8d: {  	s2 =	sadd.s32 s2, s17  }
0x8e: {  	[smem:$0x3FC6] =	sst s2  }
0x8f: {  	_ = 	snop  }
0x90: {  	s2 =	sld [smem:$0x3FC9]  }
0x91: {  	s18 =	sld [smem:$0x3FD0];
	(tm) =	ssettm $0x1  }
0x92: {  	s4 =	sld [smem:$0x3FFB];
	_ =	sdelay $0x3  }
0x93: {  	_ =	strace s4  }
0x94: {  	s4 =	sld [smem:$0x3FFC];
	_ =	sdelay $0x3  }
0x95: {  	_ =	strace s4  }
0x96: {  	s4 =	sld [smem:$0x3FFD];
	_ =	sdelay $0x3  }
0x97: {  	_ =	strace s4  }
0x98: {  	_ =	strace $0x8FFFFFFF  }
0x99: {  	s19 =	sld [smem:$0x3FDB];
	_ =	sdelay $0x1  }
0x9a: {  	s5 =	simm.s32 $_scs_section_size  }
0x9b: {  	s6 =	simm.s32 $_size__tile_overlayer_lowered;
	s7 =	simm.s32 $_tile_overlayer_lowered  }
0x9c: {  	s22 =	simm.s32 $0x1BFF;
	s21 =	sshll.u32 s7, $0x1;
	s4 =	sadd.s32 s5, s19  }
0x9d: {  	s8 =	simm.s32 $0x0;
	s20 =	sshll.u32 s6, $0x1;
	s6 =	sadd.s32 s21, s4  }
0x9e: {  	[timem:s8], [sflag:s22] =	dma.local [hbm:s6], s20  }
0x9f: {  	_ =	swait.ge [sflag:s22], s20  }
0xa0: {  	s5 =	ssub.s32 $0x0, s20;
	[sflag:s22] =	ssyncset.done $0x0  }
0xa1: {  	[sflag:s22] =	ssyncadd.s32 s5;
	_ =	sdelay $0x1  }
0xa2: {  	s23 =	simm.s32 $0x1B8B  }
0xa3: {  	_ =	swait.ge [sflag:s23], $0x1  }
0xa4: {  	[sflag:s23] =	ssyncset.done $0x0  }
0xa5: {  	s25 =	simm.s32 $0x1B8E;
	s24 =	sld [smem:$0x3FFE];
	[sflag:s23] =	ssyncadd.s32 $0xFFFFFFFF  }
0xa6: {  	s26 =	simm.s32 $execute0_lowered;
	[smem:$0x3FD2] =	sst s25  }
0xa7: {  	s6 =	sshll.u32 s26, $0x1;
	_ =	strace $0x80000046;
	[dreg:$0x1] =	wrdreg $0xFFFFFFFF  }
0xa8: {  	s28 =	simm.s32 $_size_execute0_lowered;
	s4 =	sadd.s32 s4, s6;
	[dreg:$0x0] =	wrdreg $0x0  }
0xa9: {  	s6 =	sshll.u32 s28, $0x1;
	[dreg:$0x2] =	wrdreg s4  }
0xaa: {  	[dreg:$0x3] =	wrdreg s6  }
0xab: {  	[dreg:$0x4] =	wrdreg $0xC0  }
0xac: {  	_ =	task [dreg:s8], $0x5FFFF  }
0xad: {  	[dreg:$0x1] =	wrdreg $0xFFFFFFFF  }
0xae: {  	[dreg:$0x0] =	wrdreg $0x60  }
0xaf: {  	[dreg:$0x2] =	wrdreg s2  }
0xb0: {  	[dreg:$0x3] =	wrdreg s24  }
0xb1: {  	[dreg:$0x4] =	wrdreg s18  }
0xb2: {  	[dreg:$0x5] =	wrdreg $0x9  }
0xb3: {  	_ =	task.clear_ibuf [dreg:s8], $0x6FFFF;
	_ =	strace $0x90000046  }
0xb4: {  	s29 =	simm.s32 $0x9;
	_ =	strace $0x80000051  }
0xb5: {  	_ =	swait.ge [sflag:s29], $0x1  }
0xb6: {  	[sflag:s29] =	ssyncadd.s32 $0xFFFFFFFF  }
0xb7: {  	_ =	strace $0x90000051  }
0xb8: {  	_ =	sfence  }
0xb9: {  	s30 =	sld [smem:$0x0];
	_ =	sdelay $0x2  }
0xba: {  	s31 =	sshll.u32 s1, $0xD;
	s1 =	sshrl.u32 s1, $0x2  }
0xbb: {  	s3 =	sand.u32 $0x4000, s31;
	s1 =	sadd.s32 s1, s30  }
0xbc: {  	s0 =	sor.u32 s3, s0;
	s1 =	sshll.u32 s1, $0x11  }
0xbd: {  	s0 =	sor.u32 s1, s0  }
0xbe: {  	s0 =	sadd.s32 $0x8F2B, s0  }
0xbf: {  	[sflag:s0] =	ssyncadd.remote.s32 $0x1  }
0xc0: {  	_ =	sfence.sel $0xFFFF  }
0xc1: {  	[dreg:$0x0] =	wrdreg $0xFFFFFFFF;
	(pc) =	sbr.abs _section_cstart, $3  }
0xc2: {  	[dreg:$0x1] =	wrdreg $0xFFFFFFFF  }
0xc3: {  	_ =	task.clear_ibuf [dreg:s8], $0x2FFFF;
	_ =	strace $0x9FFFFFFF  }
0xc4: {  	(tm) =	ssettm $0x7FFFFFFF  }
0xc5: {  	_ =	shalt  }
tec
execute0_lowered:
.L_overlay_start_1:
0x0: {  	(tag) =	ssettag $0x1  }
0x1: {  	s1 =	rddreg [dreg:$0x0]  }
0x2: {  	s0 =	rddreg [dreg:$0x1];
	s3 =	srdreg.scid  }
0x3: {  	s2 =	rddreg [dreg:$0x2];
	s4 =	simm.s32 $0x0;
	s3 =	sand.u32 $0x1, s3  }
0x4: {  	s5 =	stileid.u32;
	s24 =	ssub.s32 $0x2, s3;
	s3 =	sshll.u32 s3, $0x4  }
0x5: {  	[smem:$0x7FF] =	sst s4;
	s3 =	sor.u32 s5, s3  }
0x6: {  	s6 =	sshrl.u32 s24, $0x1;
	s5 =	sadd.s32 $0x400, s0;
	s26 =	sshll.u32 s3, $0xE  }
0x7: {  	_ =	strace $0x80000047;
	s25 =	ssub.s32 s24, s6;
	s28 =	sadd.s32 s5, s26  }
0x8: {  	s7 =	sadd.s32 s1, s26;
	s0 =	smax.u32 s25, $0x1;
	[dreg:$0x4] =	wrdreg s28  }
0x9: {  	s10 =	simm.s32 $0x200;
	[dreg:$0x5] =	wrdreg s0;
	s29 =	sadd.s32 $0x80000, s7  }
0xa: {  	s11 =	simm.s32 $0x400;
	s30 =	sadd.s32 $0x100000, s7;
	[dreg:$0x6] =	wrdreg s29  }
0xb: {  	s19 =	simm.s32 $0x6;
	s31 =	sadd.s32 $0x180000, s7;
	[dreg:$0x7] =	wrdreg s30  }
0xc: {  	s20 =	simm.s32 $0x0;
	s6 =	sshll.u32 s3, $0x5;
	[dreg:$0x8] =	wrdreg s31  }
.LBB2_1:
0xd: {  	_ =	strace $0x80000048;
	s0 =	simm.s32 $0x0  }
0xe: {  	[tilespmem:s0], [sflag:$0x1] =	stream.strided.gather [hbm4b:s7+s10], $0x1000, s11, s10, $0x200038;
	[tilespmem:$0x12000] =	vst v63  }
0xf: {  	s3 =	simm.s32 $0x1000;
	s22 =	rddreg [dreg:$0x6]  }
0x10: {  	s24 =	simm.s32 $0x2000;
	s26 =	simm.s32 $0x3000;
	s23 =	rddreg [dreg:$0x7]  }
0x11: {  	[tilespmem:s3], [sflag:$0x1] =	stream.strided.gather [hbm4b:s22+s10], $0x1000, s11, s10, $0x200038;
	[tilespmem:$0x12000] =	vst v63  }
0x12: {  	s31 =	simm.s32 $0x8000;
	s30 =	simm.s32 $0x0;
	s25 =	rddreg [dreg:$0x8]  }
0x13: {  	[tilespmem:s24], [sflag:$0x1] =	stream.strided.gather [hbm4b:s23+s10], $0x1000, s11, s10, $0x200038;
	[tilespmem:$0x12000] =	vst v63  }
0x14: {  	s21 =	simm.s32 $0x0;
	s28 =	simm.s32 $0x0;
	s29 =	rddreg [dreg:$0x4]  }
0x15: {  	[tilespmem:s26], [sflag:$0x1] =	stream.strided.gather [hbm4b:s25+s10], $0x1000, s11, s10, $0x200038;
	[tilespmem:$0x12000] =	vst v63  }
0x16: {  	s22 =	simm.s32 $0x0;
	s23 =	simm.s32 $0x0;
	s24 =	simm.s32 $0x1  }
0x17: {  	[tilespmem:s31], [sflag:$0x3] =	stream.strided.gather [hbm4b:s29+s10], $0x1000, s11, s10, $0x200038;
	[tilespmem:$0x12000] =	vst v63  }
0x18: {  	s25 =	simm.s32 $0x0;
	s26 =	simm.s32 $0x1;
	_ =	strace $0x90000048  }
.LBB2_2:
0x19: {  	s29 =	sadd.s32 $0x1, s30  }
0x1a: {  	p0 =	seq.s32 s29, $0x20  }
0x1b: {  	s29 =	simm.s32 @p0 $0x0;
	p0 =	seq.s32 s28, $0x1F  }
0x1c: {  	p1 =	seq.s32 @!p0 s30, s29  }
0x1d: {  	p2 =	por p1, p0  }
0x1e: {  	s0 =	sadd.s32 @!p2 s6, s29  }
0x1f: {  	s3 =	sshll.u32 @!p2 s29, $0x9;
	s0 =	sshll.u32 @!p2 s0, $0xC  }
0x20: {  	s3 =	sand.u32 @!p2 $0x200, s3;
	s0 =	sand.u32 @!p2 $0xFFFFE000, s0  }
0x21: {  	_ =	strace @!p2 $0x80000049;
	s4 =	sand.u32 @!p2 $0x1, s26;
	s0 =	sor.u32 @!p2 s3, s0  }
0x22: {  	s9 =	simm.s32 @!p2 $0x200;
	s12 =	simm.s32 @!p2 $0x400;
	s0 =	sshrl.u32 @!p2 s0, $0x3  }
0x23: {  	s3 =	sadd.s32 @!p2 $0x1, s4;
	s4 =	sshll.u32 @!p2 s4, $0xE;
	s8 =	sadd.s32 @!p2 s1, s0  }
0x24: {  	[tilespmem:s4], [sflag:s3] =	stream.strided.gather @!p2 [hbm4b:s8+s9], $0x1000, s12, s9, $0x200038;
	[tilespmem:$0x12000] =	vst v63  }
0x25: {  	s15 =	sor.u32 @!p2 $0x1000, s4;
	s14 =	sadd.s32 @!p2 $0x80000, s8  }
0x26: {  	[tilespmem:s15], [sflag:s3] =	stream.strided.gather @!p2 [hbm4b:s14+s9], $0x1000, s12, s9, $0x200038;
	[tilespmem:$0x12000] =	vst v63  }
0x27: {  	s14 =	sadd.s32 @!p2 $0x100000, s8;
	s15 =	sor.u32 @!p2 $0x2000, s4  }
0x28: {  	[tilespmem:s15], [sflag:s3] =	stream.strided.gather @!p2 [hbm4b:s14+s9], $0x1000, s12, s9, $0x200038;
	[tilespmem:$0x12000] =	vst v63  }
0x29: {  	s8 =	sadd.s32 @!p2 $0x180000, s8;
	s4 =	sor.u32 @!p2 $0x3000, s4  }
0x2a: {  	[tilespmem:s4], [sflag:s3] =	stream.strided.gather @!p2 [hbm4b:s8+s9], $0x1000, s12, s9, $0x200038;
	[tilespmem:$0x12000] =	vst v63  }
0x2b: {  	s3 =	sand.u32 @!p2 $0x1, s24  }
0x2c: {  	s0 =	sadd.s32 @!p2 s5, s0;
	_ =	strace @!p2 $0x90000049;
	s4 =	sshll.u32 @!p2 s3, $0xC  }
0x2d: {  	s3 =	sadd.s32 @!p2 $0x3, s3;
	_ =	strace @!p2 $0x8000004A;
	s4 =	sor.u32 @!p2 $0x8000, s4  }
0x2e: {  	[tilespmem:s4], [sflag:s3] =	stream.strided.gather @!p2 [hbm4b:s0+s9], $0x1000, s12, s9, $0x200038;
	[tilespmem:$0x12000] =	vst v63  }
0x2f: {  	s18 =	sand.u32 $0x1, s25;
	_ =	strace @!p2 $0x9000004A  }
0x30: {  	s4 =	sadd.s32 $0x1, s18;
	_ =	strace $0x8000004B  }
0x31: {  	_ =	swait.ge [sflag:s4], $0x4000  }
0x32: {  	[sflag:s4] =	ssyncset.done $0x0  }
0x33: {  	[sflag:s4] =	ssyncadd.s32 $0xFFFFC000  }
0x34: {  	s8 =	sand.u32 $0x1, s23;
	_ =	strace $0x9000004B  }
0x35: {  	s9 =	sadd.s32 $0x3, s8;
	_ =	strace $0x8000004C  }
0x36: {  	_ =	swait.ge [sflag:s9], $0x1000  }
0x37: {  	[sflag:s9] =	ssyncset.done $0x0  }
0x38: {  	s3 =	sshll.u32 s8, $0xE;
	[sflag:s9] =	ssyncadd.s32 $0xFFFFF000  }
0x39: {  	s0 =	sshll.u32 s18, $0x10;
	s17 =	sshrl.u32 s3, $0x2;
	_ =	strace $0x9000004C  }
0x3a: {  	s18 =	sshrl.u32 s0, $0x2;
	s12 =	sor.u32 $0x8040, s17;
	_ =	strace $0x8000004D  }
0x3b: {  	s14 =	sor.u32 $0x2000, s18;
	v0 =	vld [tilespmem:s12+$0x30]  }
0x3c: {  	v1 =	vld [tilespmem:s14+$0xFFFFE070]  }
0x3d: {  	v2 =	vld [tilespmem:s14+$0xFFFFE000]  }
0x3e: {  	v3 =	vld [tilespmem:s12+$0xFFFFFFD0]  }
0x3f: {  	v4 =	vld [tilespmem:s14+$0xFFFFE010]  }
0x40: {  	v5 =	vld [tilespmem:s12+$0xFFFFFFE0]  }
0x41: {  	v6 =	vld [tilespmem:s14+$0xFFFFE020]  }
0x42: {  	v7 =	vld [tilespmem:s12+$0xFFFFFFF0]  }
0x43: {  	v8 =	vld [tilespmem:s14+$0xFFFFE030]  }
0x44: {  	v9 =	vld [tilespmem:s12+$0x0]  }
0x45: {  	v10 =	vld [tilespmem:s14+$0xFFFFE040]  }
0x46: {  	v11 =	vld [tilespmem:s12+$0x10]  }
0x47: {  	v12 =	vld [tilespmem:s14+$0xFFFFE050]  }
0x48: {  	s16 =	sadd.s32 $0x200, s12;
	v13 =	vld [tilespmem:s12+$0x20]  }
0x49: {  	s0 =	sand.u32 $0x1, s22;
	s9 =	sadd.s32 $0x200, s14;
	v18 =	vld [tilespmem:s16+$0x30]  }
0x4a: {  	s15 =	sshll.u32 s0, $0x10;
	v19 =	vld [tilespmem:s9+$0xFFFFE000]  }
0x4b: {  	s31 =	sshrl.u32 s15, $0x2;
	v20 =	vld [tilespmem:s16+$0xFFFFFFD0];
	v1 =	vadd.f32 v1, v0  }
0x4c: {  	s4 =	sadd.s32 $0xC000, s31;
	v21 =	vld [tilespmem:s9+$0xFFFFE010]  }
0x4d: {  	[tilespmem:s4+$0xFFFFE070] =	vst v1;
	v1 =	vadd.f32 v4, v3;
	v4 =	vld [tilespmem:s14+$0xFFFFE060]  }
0x4e: {  	v15 =	vadd.f32 v6, v5;
	v14 =	vld [tilespmem:s14+$0xFFFFF070]  }
0x4f: {  	v6 =	vld [tilespmem:s12+$0xFFFFFFC0];
	[tilespmem:s4+$0xFFFFE010] =	vst v1;
	v1 =	vadd.f32 v8, v7  }
0x50: {  	[tilespmem:s4+$0xFFFFE020] =	vst v15;
	v8 =	vadd.f32 v10, v9;
	v10 =	vld [tilespmem:s14+$0xFFFFF010]  }
0x51: {  	[tilespmem:s4+$0xFFFFE030] =	vst v1;
	v1 =	vadd.f32 v12, v11;
	v12 =	vld [tilespmem:s14+$0xFFFFF020]  }
0x52: {  	[tilespmem:s4+$0xFFFFE040] =	vst v8;
	v8 =	vld [tilespmem:s14+$0xFFFFF030];
	v4 =	vadd.f32 v4, v13  }
0x53: {  	v14 =	vadd.f32 v14, v0;
	[tilespmem:s4+$0xFFFFE050] =	vst v1;
	v1 =	vld [tilespmem:s14+$0xFFFFF040]  }
0x54: {  	v2 =	vadd.f32 v2, v6;
	v15 =	vld [tilespmem:s14+$0xFFFFF050];
	[tilespmem:s4+$0xFFFFE060] =	vst v4  }
0x55: {  	[tilespmem:s4+$0xFFFFF070] =	vst v14;
	v4 =	vadd.f32 v10, v3;
	v10 =	vld [tilespmem:s14+$0xFFFFF060]  }
0x56: {  	[tilespmem:s4+$0xFFFFE000] =	vst v2;
	v14 =	vld [tilespmem:s14+$0x70];
	v2 =	vadd.f32 v12, v5  }
0x57: {  	v12 =	vld [tilespmem:s14+$0xFFFFF000];
	[tilespmem:s4+$0xFFFFF010] =	vst v4;
	v4 =	vadd.f32 v8, v7  }
0x58: {  	v8 =	vld [tilespmem:s14+$0x10];
	[tilespmem:s4+$0xFFFFF020] =	vst v2;
	v1 =	vadd.f32 v1, v9  }
0x59: {  	v2 =	vld [tilespmem:s14+$0x20];
	[tilespmem:s4+$0xFFFFF030] =	vst v4;
	v4 =	vadd.f32 v15, v11  }
0x5a: {  	v15 =	vld [tilespmem:s14+$0x30];
	[tilespmem:s4+$0xFFFFF040] =	vst v1;
	v1 =	vadd.f32 v10, v13  }
0x5b: {  	v10 =	vadd.f32 v14, v0;
	v14 =	vld [tilespmem:s14+$0x40];
	[tilespmem:s4+$0xFFFFF050] =	vst v4  }
0x5c: {  	v4 =	vadd.f32 v12, v6;
	v12 =	vld [tilespmem:s14+$0x50];
	[tilespmem:s4+$0xFFFFF060] =	vst v1  }
0x5d: {  	[tilespmem:s4+$0x70] =	vst v10;
	v1 =	vadd.f32 v8, v3;
	v8 =	vld [tilespmem:s14+$0x60]  }
0x5e: {  	[tilespmem:s4+$0xFFFFF000] =	vst v4;
	v10 =	vld [tilespmem:s14+$0x1070];
	v2 =	vadd.f32 v2, v5  }
0x5f: {  	v4 =	vld [tilespmem:s14+$0x0];
	[tilespmem:s4+$0x10] =	vst v1;
	v1 =	vadd.f32 v15, v7  }
0x60: {  	v15 =	vld [tilespmem:s14+$0x1010];
	[tilespmem:s4+$0x20] =	vst v2;
	v2 =	vadd.f32 v14, v9  }
0x61: {  	v14 =	vld [tilespmem:s14+$0x1020];
	[tilespmem:s4+$0x30] =	vst v1  }
0x62: {  	v1 =	vadd.f32 v12, v11;
	v12 =	vld [tilespmem:s14+$0x1030];
	[tilespmem:s4+$0x40] =	vst v2  }
0x63: {  	v2 =	vadd.f32 v8, v13;
	v8 =	vld [tilespmem:s14+$0x1040]  }
0x64: {  	[tilespmem:s4+$0x50] =	vst v1;
	v1 =	vld [tilespmem:s16+$0xFFFFFFE0]  }
0x65: {  	[tilespmem:s4+$0x60] =	vst v2;
	v2 =	vld [tilespmem:s9+$0xFFFFE070]  }
0x66: {  	v0 =	vadd.f32 v10, v0;
	v10 =	vld [tilespmem:s9+$0xFFFFE020]  }
0x67: {  	v16 =	vld [tilespmem:s14+$0x1050]  }
0x68: {  	v17 =	vld [tilespmem:s14+$0x1060];
	v3 =	vadd.f32 v15, v3  }
0x69: {  	[tilespmem:s4+$0x1070] =	vst v0;
	v0 =	vadd.f32 v4, v6;
	v15 =	vld [tilespmem:s9+$0xFFFFE030]  }
0x6a: {  	[tilespmem:s4+$0x1010] =	vst v3;
	v3 =	vld [tilespmem:s16+$0x0];
	v22 =	vadd.f32 v2, v18  }
0x6b: {  	s8 =	sadd.s32 $0x200, s4;
	[tilespmem:s4+$0x0] =	vst v0;
	v0 =	vadd.f32 v14, v5;
	v4 =	vadd.f32 v12, v7;
	v7 =	vld [tilespmem:s9+$0xFFFFE040]  }
0x6c: {  	v12 =	vld [tilespmem:s9+$0xFFFFE060];
	[tilespmem:s8+$0xFFFFE070] =	vst v22  }
0x6d: {  	v10 =	vadd.f32 v10, v1;
	[tilespmem:s4+$0x1020] =	vst v0;
	v14 =	vld [tilespmem:s9+$0xFFFFF070]  }
0x6e: {  	v2 =	vld [tilespmem:s16+$0xFFFFFFF0];
	v0 =	vadd.f32 v8, v9;
	[tilespmem:s4+$0x1030] =	vst v4  }
0x6f: {  	v5 =	vadd.f32 v16, v11;
	v4 =	vld [tilespmem:s16+$0x10];
	[tilespmem:s8+$0xFFFFE020] =	vst v10  }
0x70: {  	v8 =	vld [tilespmem:s9+$0xFFFFE050];
	[tilespmem:s4+$0x1040] =	vst v0;
	v0 =	vadd.f32 v17, v13  }
0x71: {  	v11 =	vadd.f32 v21, v20;
	[tilespmem:s4+$0x1050] =	vst v5;
	v5 =	vld [tilespmem:s16+$0x20]  }
0x72: {  	[tilespmem:s4+$0x1060] =	vst v0;
	v0 =	vld [tilespmem:s16+$0xFFFFFFC0];
	v9 =	vadd.f32 v14, v18  }
0x73: {  	[tilespmem:s8+$0xFFFFE010] =	vst v11;
	v7 =	vadd.f32 v7, v3  }
0x74: {  	v10 =	vld [tilespmem:s9+$0xFFFFF010];
	[tilespmem:s8+$0xFFFFF070] =	vst v9;
	v9 =	vadd.f32 v15, v2  }
0x75: {  	v8 =	vadd.f32 v8, v4;
	[tilespmem:s8+$0xFFFFE040] =	vst v7;
	v11 =	vld [tilespmem:s9+$0x70]  }
0x76: {  	v12 =	vadd.f32 v12, v5;
	[tilespmem:s8+$0xFFFFE030] =	vst v9;
	v9 =	vld [tilespmem:s9+$0xFFFFF020]  }
0x77: {  	[tilespmem:s8+$0xFFFFE050] =	vst v8;
	v8 =	vadd.f32 v19, v0;
	v7 =	vld [tilespmem:s9+$0xFFFFF030]  }
0x78: {  	v13 =	vld [tilespmem:s9+$0xFFFFF040];
	[tilespmem:s8+$0xFFFFE060] =	vst v12  }
0x79: {  	v14 =	vld [tilespmem:s9+$0xFFFFF050];
	[tilespmem:s8+$0xFFFFE000] =	vst v8;
	v8 =	vadd.f32 v10, v20  }
0x7a: {  	v10 =	vld [tilespmem:s9+$0xFFFFF060];
	v11 =	vadd.f32 v11, v18  }
0x7b: {  	v12 =	vld [tilespmem:s9+$0xFFFFF000];
	[tilespmem:s8+$0xFFFFF010] =	vst v8;
	v9 =	vadd.f32 v9, v1  }
0x7c: {  	[tilespmem:s8+$0x70] =	vst v11;
	v7 =	vadd.f32 v7, v2;
	v11 =	vld [tilespmem:s9+$0x10]  }
0x7d: {  	v8 =	vld [tilespmem:s9+$0x1070];
	[tilespmem:s8+$0xFFFFF020] =	vst v9;
	v9 =	vadd.f32 v13, v3  }
0x7e: {  	v13 =	vld [tilespmem:s9+$0x20];
	[tilespmem:s8+$0xFFFFF030] =	vst v7;
	v7 =	vadd.f32 v14, v4  }
0x7f: {  	v14 =	vld [tilespmem:s9+$0x30];
	[tilespmem:s8+$0xFFFFF040] =	vst v9;
	v9 =	vadd.f32 v10, v5  }
0x80: {  	v10 =	vadd.f32 v12, v0;
	v12 =	vld [tilespmem:s9+$0x40];
	[tilespmem:s8+$0xFFFFF050] =	vst v7  }
0x81: {  	v7 =	vld [tilespmem:s9+$0x50];
	[tilespmem:s8+$0xFFFFF060] =	vst v9;
	v9 =	vadd.f32 v11, v20  }
0x82: {  	[tilespmem:s8+$0xFFFFF000] =	vst v10;
	v8 =	vadd.f32 v8, v18;
	v10 =	vld [tilespmem:s9+$0x60]  }
0x83: {  	v11 =	vld [tilespmem:s9+$0x0];
	v13 =	vadd.f32 v13, v1;
	[tilespmem:s8+$0x10] =	vst v9  }
0x84: {  	[tilespmem:s8+$0x1070] =	vst v8;
	v9 =	vadd.f32 v14, v2;
	v14 =	vld [tilespmem:s14+$0x1000]  }
0x85: {  	v15 =	vld [tilespmem:s9+$0x1010];
	[tilespmem:s8+$0x20] =	vst v13;
	v12 =	vadd.f32 v12, v3  }
0x86: {  	s13 =	smov.u32 s26;
	v8 =	vld [tilespmem:s9+$0x1020];
	[tilespmem:s8+$0x30] =	vst v9;
	v13 =	vadd.f32 v7, v4  }
0x87: {  	p1 =	por !p1, p0;
	s3 =	simm.s32 $0x0;
	s12 =	sadd.s32 @!p2 $0x1, s26;
	v7 =	vld [tilespmem:s9+$0x1030];
	[tilespmem:s8+$0x40] =	vst v12;
	v12 =	vadd.f32 v10, v5  }
0x88: {  	s3 =	simm.s32 @p1 $0x1;
	s15 =	sadd.s32 s6, s30;
	s26 =	smov.u32 @p1 s12;
	v11 =	vadd.f32 v11, v0;
	v9 =	vld [tilespmem:s9+$0x1040];
	[tilespmem:s8+$0x50] =	vst v13  }
0x89: {  	s3 =	simm.s32 @p0 $0x0;
	s12 =	simm.s32 $0x80;
	s26 =	smov.u32 @p0 s13;
	v10 =	vld [tilespmem:s9+$0x1050];
	[tilespmem:s8+$0x60] =	vst v12;
	v12 =	vadd.f32 v14, v6  }
0x8a: {  	s13 =	sor.u32 $0xA000, s31;
	s16 =	sadd.s32 $0x200, s16;
	s14 =	smov.u32 s9;
	[tilespmem:s8+$0x0] =	vst v11;
	v6 =	vadd.f32 v15, v20;
	v11 =	vld [tilespmem:s9+$0x1060]  }
.LBB2_3:
0x8b: {  	v13 =	vld [tilespmem:s16+$0x30];
	v1 =	vadd.f32 v8, v1;
	s9 =	sadd.s32 $0x200, s9;
	[tilespmem:s4+$0x1000] =	vst v12;
	s4 =	smov.u32 s8  }
0x8c: {  	s12 =	sadd.s32 $0x80, s12;
	v8 =	vld [tilespmem:s9+$0xFFFFE070];
	[tilespmem:s8+$0x1010] =	vst v6;
	v2 =	vadd.f32 v7, v2  }
0x8d: {  	p1 =	slt.u32 s12, $0x380;
	v7 =	vld [tilespmem:s9+$0xFFFFE000];
	[tilespmem:s8+$0x1020] =	vst v1;
	v1 =	vadd.f32 v9, v3  }
0x8e: {  	v6 =	vld [tilespmem:s16+$0xFFFFFFD0];
	[tilespmem:s8+$0x1030] =	vst v2;
	v2 =	vadd.f32 v10, v4  }
0x8f: {  	v3 =	vld [tilespmem:s9+$0xFFFFE010];
	[tilespmem:s8+$0x1040] =	vst v1;
	v4 =	vadd.f32 v11, v5  }
0x90: {  	v1 =	vld [tilespmem:s16+$0xFFFFFFE0];
	[tilespmem:s8+$0x1050] =	vst v2  }
0x91: {  	v5 =	vld [tilespmem:s9+$0xFFFFE020];
	v8 =	vadd.f32 v8, v13;
	[tilespmem:s8+$0x1060] =	vst v4  }
0x92: {  	s8 =	sadd.s32 $0x200, s8;
	v2 =	vld [tilespmem:s16+$0xFFFFFFF0]  }
0x93: {  	v9 =	vld [tilespmem:s9+$0xFFFFE030];
	[tilespmem:s8+$0xFFFFE070] =	vst v8  }
0x94: {  	v4 =	vadd.f32 v3, v6;
	v8 =	vld [tilespmem:s9+$0xFFFFF070]  }
0x95: {  	v3 =	vld [tilespmem:s16+$0x0]  }
0x96: {  	[tilespmem:s8+$0xFFFFE010] =	vst v4;
	v5 =	vadd.f32 v5, v1;
	v10 =	vld [tilespmem:s9+$0xFFFFE040]  }
0x97: {  	v4 =	vld [tilespmem:s16+$0x10]  }
0x98: {  	[tilespmem:s8+$0xFFFFE020] =	vst v5;
	v9 =	vadd.f32 v9, v2;
	v11 =	vld [tilespmem:s9+$0xFFFFE050]  }
0x99: {  	v5 =	vld [tilespmem:s16+$0x20];
	v8 =	vadd.f32 v8, v13  }
0x9a: {  	[tilespmem:s8+$0xFFFFE030] =	vst v9;
	v9 =	vld [tilespmem:s9+$0xFFFFE060]  }
0x9b: {  	v14 =	vld [tilespmem:s16+$0xFFFFFFC0];
	v10 =	vadd.f32 v10, v3;
	[tilespmem:s8+$0xFFFFF070] =	vst v8  }
0x9c: {  	v8 =	vld [tilespmem:s9+$0x70]  }
0x9d: {  	v12 =	vld [tilespmem:s9+$0xFFFFF010];
	[tilespmem:s8+$0xFFFFE040] =	vst v10;
	v10 =	vadd.f32 v11, v4  }
0x9e: {  	v11 =	vld [tilespmem:s9+$0xFFFFF020]  }
0x9f: {  	v15 =	vld [tilespmem:s9+$0xFFFFF030];
	[tilespmem:s8+$0xFFFFE050] =	vst v10;
	v9 =	vadd.f32 v9, v5  }
0xa0: {  	v7 =	vadd.f32 v7, v14;
	v10 =	vld [tilespmem:s9+$0xFFFFF040]  }
0xa1: {  	v16 =	vld [tilespmem:s9+$0xFFFFF050];
	[tilespmem:s8+$0xFFFFE060] =	vst v9;
	v8 =	vadd.f32 v8, v13  }
0xa2: {  	[tilespmem:s8+$0xFFFFE000] =	vst v7;
	v7 =	vadd.f32 v12, v6;
	v9 =	vld [tilespmem:s9+$0xFFFFF060]  }
0xa3: {  	v12 =	vld [tilespmem:s9+$0xFFFFF000];
	v11 =	vadd.f32 v11, v1;
	[tilespmem:s8+$0x70] =	vst v8  }
0xa4: {  	[tilespmem:s8+$0xFFFFF010] =	vst v7;
	v7 =	vadd.f32 v15, v2;
	v8 =	vld [tilespmem:s9+$0x1070]  }
0xa5: {  	v15 =	vld [tilespmem:s9+$0x10];
	[tilespmem:s8+$0xFFFFF020] =	vst v11;
	v10 =	vadd.f32 v10, v3  }
0xa6: {  	v11 =	vld [tilespmem:s9+$0x20];
	[tilespmem:s8+$0xFFFFF030] =	vst v7;
	v7 =	vadd.f32 v16, v4  }
0xa7: {  	v16 =	vld [tilespmem:s9+$0x30];
	[tilespmem:s8+$0xFFFFF040] =	vst v10;
	v9 =	vadd.f32 v9, v5  }
0xa8: {  	v10 =	vadd.f32 v12, v14;
	v12 =	vld [tilespmem:s9+$0x40];
	[tilespmem:s8+$0xFFFFF050] =	vst v7  }
0xa9: {  	v7 =	vld [tilespmem:s9+$0x50];
	[tilespmem:s8+$0xFFFFF060] =	vst v9;
	v8 =	vadd.f32 v8, v13  }
0xaa: {  	[tilespmem:s8+$0xFFFFF000] =	vst v10;
	v9 =	vadd.f32 v15, v6;
	v10 =	vld [tilespmem:s9+$0x60]  }
0xab: {  	v13 =	vld [tilespmem:s9+$0x0];
	v11 =	vadd.f32 v11, v1;
	[tilespmem:s8+$0x1070] =	vst v8  }
0xac: {  	[tilespmem:s8+$0x10] =	vst v9;
	v9 =	vadd.f32 v16, v2;
	v15 =	vld [tilespmem:s14+$0x1000];
	s14 =	smov.u32 s9  }
0xad: {  	v16 =	vld [tilespmem:s9+$0x1010];
	[tilespmem:s8+$0x20] =	vst v11;
	v11 =	vadd.f32 v12, v3  }
.Ltmp0:
0xae: {  	v8 =	vld [tilespmem:s9+$0x1020];
	[tilespmem:s8+$0x30] =	vst v9;
	v12 =	vadd.f32 v7, v4;
	(pc) =	sbr.rel @p1 .LBB2_3-.Ltmp0, $4  }
0xaf: {  	v7 =	vld [tilespmem:s9+$0x1030];
	[tilespmem:s8+$0x40] =	vst v11;
	v11 =	vadd.f32 v10, v5  }
0xb0: {  	v13 =	vadd.f32 v13, v14;
	v9 =	vld [tilespmem:s9+$0x1040];
	[tilespmem:s8+$0x50] =	vst v12  }
0xb1: {  	v10 =	vld [tilespmem:s9+$0x1050];
	[tilespmem:s8+$0x60] =	vst v11;
	v12 =	vadd.f32 v15, v0;
	v0 =	vmov v14  }
0xb2: {  	s16 =	sadd.s32 $0x200, s16;
	[tilespmem:s8+$0x0] =	vst v13;
	v6 =	vadd.f32 v16, v6;
	v11 =	vld [tilespmem:s9+$0x1060]  }
0xb3: {  	v1 =	vadd.f32 v8, v1;
	[tilespmem:s4+$0x1000] =	vst v12;
	v8 =	vld [tilespmem:s14+$0x1000]  }
0xb4: {  	[tilespmem:s8+$0x1010] =	vst v6;
	v2 =	vadd.f32 v7, v2  }
0xb5: {  	[tilespmem:s8+$0x1020] =	vst v1;
	v1 =	vadd.f32 v9, v3  }
0xb6: {  	[tilespmem:s8+$0x1030] =	vst v2;
	v2 =	vadd.f32 v10, v4  }
0xb7: {  	[tilespmem:s8+$0x1040] =	vst v1;
	v1 =	vadd.f32 v11, v5  }
0xb8: {  	[tilespmem:s8+$0x1050] =	vst v2;
	v0 =	vadd.f32 v8, v0  }
0xb9: {  	[tilespmem:s8+$0x1060] =	vst v1  }
0xba: {  	s14 =	sadd.s32 $0x80F0, s17;
	[tilespmem:s8+$0x1000] =	vst v0  }
0xbb: {  	s12 =	sadd.s32 $0x2080, s18;
	v0 =	vld [tilespmem:s14+$0x0]  }
0xbc: {  	v1 =	vld [tilespmem:s12+$0xFFFFE070]  }
0xbd: {  	v2 =	vld [tilespmem:s12+$0xFFFFE000]  }
0xbe: {  	v3 =	vld [tilespmem:s14+$0xFFFFFFA0]  }
0xbf: {  	v4 =	vld [tilespmem:s12+$0xFFFFE010]  }
0xc0: {  	v5 =	vld [tilespmem:s14+$0xFFFFFFB0]  }
0xc1: {  	v6 =	vld [tilespmem:s12+$0xFFFFE020]  }
0xc2: {  	v7 =	vld [tilespmem:s14+$0xFFFFFFC0]  }
0xc3: {  	v8 =	vld [tilespmem:s12+$0xFFFFE030]  }
0xc4: {  	v9 =	vld [tilespmem:s14+$0xFFFFFFD0]  }
0xc5: {  	v10 =	vld [tilespmem:s12+$0xFFFFE040]  }
0xc6: {  	v11 =	vld [tilespmem:s14+$0xFFFFFFE0]  }
0xc7: {  	v12 =	vld [tilespmem:s12+$0xFFFFE050]  }
0xc8: {  	s16 =	sadd.s32 $0x200, s14;
	v13 =	vld [tilespmem:s14+$0xFFFFFFF0]  }
0xc9: {  	s9 =	sadd.s32 $0x200, s12;
	v18 =	vld [tilespmem:s16+$0x0]  }
0xca: {  	v19 =	vld [tilespmem:s9+$0xFFFFE000]  }
0xcb: {  	v20 =	vld [tilespmem:s16+$0xFFFFFFA0];
	v1 =	vadd.f32 v1, v0  }
0xcc: {  	s4 =	sadd.s32 $0xC080, s31;
	v21 =	vld [tilespmem:s9+$0xFFFFE010]  }
0xcd: {  	[tilespmem:s4+$0xFFFFE070] =	vst v1;
	v1 =	vadd.f32 v4, v3;
	v4 =	vld [tilespmem:s12+$0xFFFFE060]  }
0xce: {  	v15 =	vadd.f32 v6, v5;
	v14 =	vld [tilespmem:s12+$0xFFFFF070]  }
0xcf: {  	v6 =	vld [tilespmem:s14+$0xFFFFFF90];
	[tilespmem:s4+$0xFFFFE010] =	vst v1;
	v1 =	vadd.f32 v8, v7  }
0xd0: {  	[tilespmem:s4+$0xFFFFE020] =	vst v15;
	v8 =	vadd.f32 v10, v9;
	v10 =	vld [tilespmem:s12+$0xFFFFF010]  }
0xd1: {  	[tilespmem:s4+$0xFFFFE030] =	vst v1;
	v1 =	vadd.f32 v12, v11;
	v12 =	vld [tilespmem:s12+$0xFFFFF020]  }
0xd2: {  	[tilespmem:s4+$0xFFFFE040] =	vst v8;
	v8 =	vld [tilespmem:s12+$0xFFFFF030];
	v4 =	vadd.f32 v4, v13  }
0xd3: {  	v14 =	vadd.f32 v14, v0;
	[tilespmem:s4+$0xFFFFE050] =	vst v1;
	v1 =	vld [tilespmem:s12+$0xFFFFF040]  }
0xd4: {  	v2 =	vadd.f32 v2, v6;
	v15 =	vld [tilespmem:s12+$0xFFFFF050];
	[tilespmem:s4+$0xFFFFE060] =	vst v4  }
0xd5: {  	[tilespmem:s4+$0xFFFFF070] =	vst v14;
	v4 =	vadd.f32 v10, v3;
	v10 =	vld [tilespmem:s12+$0xFFFFF060]  }
0xd6: {  	[tilespmem:s4+$0xFFFFE000] =	vst v2;
	v14 =	vld [tilespmem:s12+$0x70];
	v2 =	vadd.f32 v12, v5  }
0xd7: {  	v12 =	vld [tilespmem:s12+$0xFFFFF000];
	[tilespmem:s4+$0xFFFFF010] =	vst v4;
	v4 =	vadd.f32 v8, v7  }
0xd8: {  	v8 =	vld [tilespmem:s12+$0x10];
	[tilespmem:s4+$0xFFFFF020] =	vst v2;
	v1 =	vadd.f32 v1, v9  }
0xd9: {  	v2 =	vld [tilespmem:s12+$0x20];
	[tilespmem:s4+$0xFFFFF030] =	vst v4;
	v4 =	vadd.f32 v15, v11  }
0xda: {  	v15 =	vld [tilespmem:s12+$0x30];
	[tilespmem:s4+$0xFFFFF040] =	vst v1;
	v1 =	vadd.f32 v10, v13  }
0xdb: {  	v10 =	vadd.f32 v14, v0;
	v14 =	vld [tilespmem:s12+$0x40];
	[tilespmem:s4+$0xFFFFF050] =	vst v4  }
0xdc: {  	v4 =	vadd.f32 v12, v6;
	v12 =	vld [tilespmem:s12+$0x50];
	[tilespmem:s4+$0xFFFFF060] =	vst v1  }
0xdd: {  	[tilespmem:s4+$0x70] =	vst v10;
	v1 =	vadd.f32 v8, v3;
	v8 =	vld [tilespmem:s12+$0x60]  }
0xde: {  	[tilespmem:s4+$0xFFFFF000] =	vst v4;
	v10 =	vld [tilespmem:s12+$0x1070];
	v2 =	vadd.f32 v2, v5  }
0xdf: {  	v4 =	vld [tilespmem:s12+$0x0];
	[tilespmem:s4+$0x10] =	vst v1;
	v1 =	vadd.f32 v15, v7  }
0xe0: {  	v15 =	vld [tilespmem:s12+$0x1010];
	[tilespmem:s4+$0x20] =	vst v2;
	v2 =	vadd.f32 v14, v9  }
0xe1: {  	v14 =	vld [tilespmem:s12+$0x1020];
	[tilespmem:s4+$0x30] =	vst v1  }
0xe2: {  	v1 =	vadd.f32 v12, v11;
	v12 =	vld [tilespmem:s12+$0x1030];
	[tilespmem:s4+$0x40] =	vst v2  }
0xe3: {  	v2 =	vadd.f32 v8, v13;
	v8 =	vld [tilespmem:s12+$0x1040]  }
0xe4: {  	[tilespmem:s4+$0x50] =	vst v1;
	v1 =	vld [tilespmem:s16+$0xFFFFFFB0]  }
0xe5: {  	[tilespmem:s4+$0x60] =	vst v2;
	v2 =	vld [tilespmem:s9+$0xFFFFE070]  }
0xe6: {  	v0 =	vadd.f32 v10, v0;
	v10 =	vld [tilespmem:s9+$0xFFFFE020]  }
0xe7: {  	v16 =	vld [tilespmem:s12+$0x1050]  }
0xe8: {  	v17 =	vld [tilespmem:s12+$0x1060];
	v3 =	vadd.f32 v15, v3  }
0xe9: {  	[tilespmem:s4+$0x1070] =	vst v0;
	v0 =	vadd.f32 v4, v6;
	v15 =	vld [tilespmem:s9+$0xFFFFE030]  }
0xea: {  	[tilespmem:s4+$0x1010] =	vst v3;
	v3 =	vld [tilespmem:s16+$0xFFFFFFD0];
	v22 =	vadd.f32 v2, v18  }
0xeb: {  	s8 =	sadd.s32 $0x200, s4;
	[tilespmem:s4+$0x0] =	vst v0;
	v0 =	vadd.f32 v14, v5;
	v4 =	vadd.f32 v12, v7;
	v7 =	vld [tilespmem:s9+$0xFFFFE040]  }
0xec: {  	v12 =	vld [tilespmem:s9+$0xFFFFE060];
	[tilespmem:s8+$0xFFFFE070] =	vst v22  }
0xed: {  	v10 =	vadd.f32 v10, v1;
	[tilespmem:s4+$0x1020] =	vst v0;
	v14 =	vld [tilespmem:s9+$0xFFFFF070]  }
0xee: {  	v2 =	vld [tilespmem:s16+$0xFFFFFFC0];
	v0 =	vadd.f32 v8, v9;
	[tilespmem:s4+$0x1030] =	vst v4  }
0xef: {  	v5 =	vadd.f32 v16, v11;
	v4 =	vld [tilespmem:s16+$0xFFFFFFE0];
	[tilespmem:s8+$0xFFFFE020] =	vst v10  }
0xf0: {  	v8 =	vld [tilespmem:s9+$0xFFFFE050];
	[tilespmem:s4+$0x1040] =	vst v0;
	v0 =	vadd.f32 v17, v13  }
0xf1: {  	v11 =	vadd.f32 v21, v20;
	[tilespmem:s4+$0x1050] =	vst v5;
	v5 =	vld [tilespmem:s16+$0xFFFFFFF0]  }
0xf2: {  	[tilespmem:s4+$0x1060] =	vst v0;
	v0 =	vld [tilespmem:s16+$0xFFFFFF90];
	v9 =	vadd.f32 v14, v18  }
0xf3: {  	[tilespmem:s8+$0xFFFFE010] =	vst v11;
	v7 =	vadd.f32 v7, v3  }
0xf4: {  	v10 =	vld [tilespmem:s9+$0xFFFFF010];
	[tilespmem:s8+$0xFFFFF070] =	vst v9;
	v9 =	vadd.f32 v15, v2  }
0xf5: {  	v8 =	vadd.f32 v8, v4;
	[tilespmem:s8+$0xFFFFE040] =	vst v7;
	v11 =	vld [tilespmem:s9+$0x70]  }
0xf6: {  	v12 =	vadd.f32 v12, v5;
	[tilespmem:s8+$0xFFFFE030] =	vst v9;
	v9 =	vld [tilespmem:s9+$0xFFFFF020]  }
0xf7: {  	[tilespmem:s8+$0xFFFFE050] =	vst v8;
	v8 =	vadd.f32 v19, v0;
	v7 =	vld [tilespmem:s9+$0xFFFFF030]  }
0xf8: {  	v13 =	vld [tilespmem:s9+$0xFFFFF040];
	[tilespmem:s8+$0xFFFFE060] =	vst v12  }
0xf9: {  	v14 =	vld [tilespmem:s9+$0xFFFFF050];
	[tilespmem:s8+$0xFFFFE000] =	vst v8;
	v8 =	vadd.f32 v10, v20  }
0xfa: {  	v10 =	vld [tilespmem:s9+$0xFFFFF060];
	v11 =	vadd.f32 v11, v18  }
0xfb: {  	v12 =	vld [tilespmem:s9+$0xFFFFF000];
	[tilespmem:s8+$0xFFFFF010] =	vst v8;
	v9 =	vadd.f32 v9, v1  }
0xfc: {  	[tilespmem:s8+$0x70] =	vst v11;
	v7 =	vadd.f32 v7, v2;
	v11 =	vld [tilespmem:s9+$0x10]  }
0xfd: {  	v8 =	vld [tilespmem:s9+$0x1070];
	[tilespmem:s8+$0xFFFFF020] =	vst v9;
	v9 =	vadd.f32 v13, v3  }
0xfe: {  	v13 =	vld [tilespmem:s9+$0x20];
	[tilespmem:s8+$0xFFFFF030] =	vst v7;
	v7 =	vadd.f32 v14, v4  }
0xff: {  	v14 =	vld [tilespmem:s9+$0x30];
	[tilespmem:s8+$0xFFFFF040] =	vst v9;
	v9 =	vadd.f32 v10, v5  }
0x100: {  	v10 =	vadd.f32 v12, v0;
	v12 =	vld [tilespmem:s9+$0x40];
	[tilespmem:s8+$0xFFFFF050] =	vst v7  }
0x101: {  	v7 =	vld [tilespmem:s9+$0x50];
	[tilespmem:s8+$0xFFFFF060] =	vst v9;
	v9 =	vadd.f32 v11, v20  }
0x102: {  	[tilespmem:s8+$0xFFFFF000] =	vst v10;
	v8 =	vadd.f32 v8, v18;
	v11 =	vld [tilespmem:s9+$0x60]  }
0x103: {  	v15 =	vld [tilespmem:s9+$0x0];
	v10 =	vadd.f32 v13, v1;
	[tilespmem:s8+$0x10] =	vst v9  }
0x104: {  	v13 =	vld [tilespmem:s12+$0x1000];
	[tilespmem:s8+$0x1070] =	vst v8;
	v8 =	vadd.f32 v14, v2  }
0x105: {  	v14 =	vld [tilespmem:s9+$0x1010];
	[tilespmem:s8+$0x20] =	vst v10;
	v9 =	vadd.f32 v12, v3  }
0x106: {  	v10 =	vld [tilespmem:s9+$0x1020];
	[tilespmem:s8+$0x30] =	vst v8;
	v8 =	vadd.f32 v7, v4  }
0x107: {  	v7 =	vld [tilespmem:s9+$0x1030];
	[tilespmem:s8+$0x40] =	vst v9;
	v11 =	vadd.f32 v11, v5  }
0x108: {  	v15 =	vadd.f32 v15, v0;
	v9 =	vld [tilespmem:s9+$0x1040];
	[tilespmem:s8+$0x50] =	vst v8  }
0x109: {  	v12 =	vadd.f32 v13, v6;
	v8 =	vld [tilespmem:s9+$0x1050];
	[tilespmem:s8+$0x60] =	vst v11  }
0x10a: {  	s14 =	smov.u32 s9;
	s16 =	sadd.s32 $0x200, s16;
	s12 =	simm.s32 $0x80;
	[tilespmem:s8+$0x0] =	vst v15;
	v6 =	vadd.f32 v14, v20;
	v11 =	vld [tilespmem:s9+$0x1060]  }
.LBB2_5:
0x10b: {  	v13 =	vld [tilespmem:s16+$0x0];
	v1 =	vadd.f32 v10, v1;
	s9 =	sadd.s32 $0x200, s9;
	[tilespmem:s4+$0x1000] =	vst v12;
	s4 =	smov.u32 s8  }
0x10c: {  	s12 =	sadd.s32 $0x80, s12;
	v10 =	vld [tilespmem:s9+$0xFFFFE070];
	[tilespmem:s8+$0x1010] =	vst v6;
	v2 =	vadd.f32 v7, v2  }
0x10d: {  	p1 =	slt.u32 s12, $0x380;
	v7 =	vld [tilespmem:s9+$0xFFFFE000];
	[tilespmem:s8+$0x1020] =	vst v1;
	v1 =	vadd.f32 v9, v3  }
0x10e: {  	v6 =	vld [tilespmem:s16+$0xFFFFFFA0];
	[tilespmem:s8+$0x1030] =	vst v2;
	v2 =	vadd.f32 v8, v4  }
0x10f: {  	v3 =	vld [tilespmem:s9+$0xFFFFE010];
	[tilespmem:s8+$0x1040] =	vst v1;
	v4 =	vadd.f32 v11, v5  }
0x110: {  	v1 =	vld [tilespmem:s16+$0xFFFFFFB0];
	[tilespmem:s8+$0x1050] =	vst v2  }
0x111: {  	v5 =	vld [tilespmem:s9+$0xFFFFE020];
	v8 =	vadd.f32 v10, v13;
	[tilespmem:s8+$0x1060] =	vst v4  }
0x112: {  	s8 =	sadd.s32 $0x200, s8;
	v2 =	vld [tilespmem:s16+$0xFFFFFFC0]  }
0x113: {  	v9 =	vld [tilespmem:s9+$0xFFFFE030];
	[tilespmem:s8+$0xFFFFE070] =	vst v8  }
0x114: {  	v4 =	vadd.f32 v3, v6;
	v8 =	vld [tilespmem:s9+$0xFFFFF070]  }
0x115: {  	v3 =	vld [tilespmem:s16+$0xFFFFFFD0]  }
0x116: {  	[tilespmem:s8+$0xFFFFE010] =	vst v4;
	v5 =	vadd.f32 v5, v1;
	v10 =	vld [tilespmem:s9+$0xFFFFE040]  }
0x117: {  	v4 =	vld [tilespmem:s16+$0xFFFFFFE0]  }
0x118: {  	[tilespmem:s8+$0xFFFFE020] =	vst v5;
	v9 =	vadd.f32 v9, v2;
	v11 =	vld [tilespmem:s9+$0xFFFFE050]  }
0x119: {  	v5 =	vld [tilespmem:s16+$0xFFFFFFF0];
	v8 =	vadd.f32 v8, v13  }
0x11a: {  	[tilespmem:s8+$0xFFFFE030] =	vst v9;
	v9 =	vld [tilespmem:s9+$0xFFFFE060]  }
0x11b: {  	v14 =	vld [tilespmem:s16+$0xFFFFFF90];
	v10 =	vadd.f32 v10, v3;
	[tilespmem:s8+$0xFFFFF070] =	vst v8  }
0x11c: {  	v8 =	vld [tilespmem:s9+$0x70]  }
0x11d: {  	v12 =	vld [tilespmem:s9+$0xFFFFF010];
	[tilespmem:s8+$0xFFFFE040] =	vst v10;
	v10 =	vadd.f32 v11, v4  }
0x11e: {  	v11 =	vld [tilespmem:s9+$0xFFFFF020]  }
0x11f: {  	v15 =	vld [tilespmem:s9+$0xFFFFF030];
	[tilespmem:s8+$0xFFFFE050] =	vst v10;
	v9 =	vadd.f32 v9, v5  }
0x120: {  	v7 =	vadd.f32 v7, v14;
	v10 =	vld [tilespmem:s9+$0xFFFFF040]  }
0x121: {  	v16 =	vld [tilespmem:s9+$0xFFFFF050];
	[tilespmem:s8+$0xFFFFE060] =	vst v9;
	v8 =	vadd.f32 v8, v13  }
0x122: {  	[tilespmem:s8+$0xFFFFE000] =	vst v7;
	v7 =	vadd.f32 v12, v6;
	v9 =	vld [tilespmem:s9+$0xFFFFF060]  }
0x123: {  	v12 =	vld [tilespmem:s9+$0xFFFFF000];
	v11 =	vadd.f32 v11, v1;
	[tilespmem:s8+$0x70] =	vst v8  }
0x124: {  	[tilespmem:s8+$0xFFFFF010] =	vst v7;
	v7 =	vadd.f32 v15, v2;
	v8 =	vld [tilespmem:s9+$0x1070]  }
0x125: {  	v15 =	vld [tilespmem:s9+$0x10];
	[tilespmem:s8+$0xFFFFF020] =	vst v11;
	v10 =	vadd.f32 v10, v3  }
0x126: {  	v11 =	vld [tilespmem:s9+$0x20];
	[tilespmem:s8+$0xFFFFF030] =	vst v7;
	v7 =	vadd.f32 v16, v4  }
0x127: {  	v16 =	vld [tilespmem:s9+$0x30];
	[tilespmem:s8+$0xFFFFF040] =	vst v10;
	v9 =	vadd.f32 v9, v5  }
0x128: {  	v10 =	vadd.f32 v12, v14;
	v12 =	vld [tilespmem:s9+$0x40];
	[tilespmem:s8+$0xFFFFF050] =	vst v7  }
0x129: {  	v7 =	vld [tilespmem:s9+$0x50];
	[tilespmem:s8+$0xFFFFF060] =	vst v9;
	v8 =	vadd.f32 v8, v13  }
0x12a: {  	[tilespmem:s8+$0xFFFFF000] =	vst v10;
	v9 =	vadd.f32 v15, v6;
	v13 =	vld [tilespmem:s9+$0x60]  }
0x12b: {  	v15 =	vld [tilespmem:s9+$0x0];
	v10 =	vadd.f32 v11, v1;
	[tilespmem:s8+$0x1070] =	vst v8  }
0x12c: {  	[tilespmem:s8+$0x10] =	vst v9;
	v8 =	vadd.f32 v16, v2;
	v11 =	vld [tilespmem:s14+$0x1000];
	s14 =	smov.u32 s9  }
0x12d: {  	v16 =	vld [tilespmem:s9+$0x1010];
	[tilespmem:s8+$0x20] =	vst v10;
	v9 =	vadd.f32 v12, v3  }
.Ltmp1:
0x12e: {  	v10 =	vld [tilespmem:s9+$0x1020];
	[tilespmem:s8+$0x30] =	vst v8;
	v8 =	vadd.f32 v7, v4;
	(pc) =	sbr.rel @p1 .LBB2_5-.Ltmp1, $4  }
0x12f: {  	v7 =	vld [tilespmem:s9+$0x1030];
	[tilespmem:s8+$0x40] =	vst v9;
	v12 =	vadd.f32 v13, v5  }
0x130: {  	v13 =	vadd.f32 v15, v14;
	v9 =	vld [tilespmem:s9+$0x1040];
	[tilespmem:s8+$0x50] =	vst v8  }
0x131: {  	v8 =	vld [tilespmem:s9+$0x1050];
	[tilespmem:s8+$0x60] =	vst v12;
	v12 =	vadd.f32 v11, v0;
	v0 =	vmov v14  }
0x132: {  	s16 =	sadd.s32 $0x200, s16;
	[tilespmem:s8+$0x0] =	vst v13;
	v6 =	vadd.f32 v16, v6;
	v11 =	vld [tilespmem:s9+$0x1060]  }
0x133: {  	v1 =	vadd.f32 v10, v1;
	[tilespmem:s4+$0x1000] =	vst v12;
	v10 =	vld [tilespmem:s14+$0x1000]  }
0x134: {  	[tilespmem:s8+$0x1010] =	vst v6;
	v2 =	vadd.f32 v7, v2  }
0x135: {  	[tilespmem:s8+$0x1020] =	vst v1;
	v1 =	vadd.f32 v9, v3  }
0x136: {  	[tilespmem:s8+$0x1030] =	vst v2;
	v2 =	vadd.f32 v8, v4  }
0x137: {  	[tilespmem:s8+$0x1040] =	vst v1;
	v1 =	vadd.f32 v11, v5  }
0x138: {  	[tilespmem:s8+$0x1050] =	vst v2;
	v0 =	vadd.f32 v10, v0  }
0x139: {  	[tilespmem:s8+$0x1060] =	vst v1  }
0x13a: {  	s14 =	sadd.s32 $0x8170, s17;
	[tilespmem:s8+$0x1000] =	vst v0  }
0x13b: {  	s12 =	sadd.s32 $0x2100, s18;
	v0 =	vld [tilespmem:s14+$0x0]  }
0x13c: {  	v1 =	vld [tilespmem:s12+$0xFFFFE070]  }
0x13d: {  	v2 =	vld [tilespmem:s12+$0xFFFFE000]  }
0x13e: {  	v3 =	vld [tilespmem:s14+$0xFFFFFFA0]  }
0x13f: {  	v4 =	vld [tilespmem:s12+$0xFFFFE010]  }
0x140: {  	v5 =	vld [tilespmem:s14+$0xFFFFFFB0]  }
0x141: {  	v6 =	vld [tilespmem:s12+$0xFFFFE020]  }
0x142: {  	v7 =	vld [tilespmem:s14+$0xFFFFFFC0]  }
0x143: {  	v8 =	vld [tilespmem:s12+$0xFFFFE030]  }
0x144: {  	v9 =	vld [tilespmem:s14+$0xFFFFFFD0]  }
0x145: {  	v10 =	vld [tilespmem:s12+$0xFFFFE040]  }
0x146: {  	v11 =	vld [tilespmem:s14+$0xFFFFFFE0]  }
0x147: {  	v12 =	vld [tilespmem:s12+$0xFFFFE050]  }
0x148: {  	s16 =	sadd.s32 $0x200, s14;
	v13 =	vld [tilespmem:s14+$0xFFFFFFF0]  }
0x149: {  	s9 =	sadd.s32 $0x200, s12;
	v18 =	vld [tilespmem:s16+$0x0]  }
0x14a: {  	v19 =	vld [tilespmem:s9+$0xFFFFE000]  }
0x14b: {  	v20 =	vld [tilespmem:s16+$0xFFFFFFA0];
	v1 =	vadd.f32 v1, v0  }
0x14c: {  	s4 =	sadd.s32 $0xC100, s31;
	v21 =	vld [tilespmem:s9+$0xFFFFE010]  }
0x14d: {  	[tilespmem:s4+$0xFFFFE070] =	vst v1;
	v1 =	vadd.f32 v4, v3;
	v4 =	vld [tilespmem:s12+$0xFFFFE060]  }
0x14e: {  	v15 =	vadd.f32 v6, v5;
	v14 =	vld [tilespmem:s12+$0xFFFFF070]  }
0x14f: {  	v6 =	vld [tilespmem:s14+$0xFFFFFF90];
	[tilespmem:s4+$0xFFFFE010] =	vst v1;
	v1 =	vadd.f32 v8, v7  }
0x150: {  	[tilespmem:s4+$0xFFFFE020] =	vst v15;
	v8 =	vadd.f32 v10, v9;
	v10 =	vld [tilespmem:s12+$0xFFFFF010]  }
0x151: {  	[tilespmem:s4+$0xFFFFE030] =	vst v1;
	v1 =	vadd.f32 v12, v11;
	v12 =	vld [tilespmem:s12+$0xFFFFF020]  }
0x152: {  	[tilespmem:s4+$0xFFFFE040] =	vst v8;
	v8 =	vld [tilespmem:s12+$0xFFFFF030];
	v4 =	vadd.f32 v4, v13  }
0x153: {  	v14 =	vadd.f32 v14, v0;
	[tilespmem:s4+$0xFFFFE050] =	vst v1;
	v1 =	vld [tilespmem:s12+$0xFFFFF040]  }
0x154: {  	v2 =	vadd.f32 v2, v6;
	v15 =	vld [tilespmem:s12+$0xFFFFF050];
	[tilespmem:s4+$0xFFFFE060] =	vst v4  }
0x155: {  	[tilespmem:s4+$0xFFFFF070] =	vst v14;
	v4 =	vadd.f32 v10, v3;
	v10 =	vld [tilespmem:s12+$0xFFFFF060]  }
0x156: {  	[tilespmem:s4+$0xFFFFE000] =	vst v2;
	v14 =	vld [tilespmem:s12+$0x70];
	v2 =	vadd.f32 v12, v5  }
0x157: {  	v12 =	vld [tilespmem:s12+$0xFFFFF000];
	[tilespmem:s4+$0xFFFFF010] =	vst v4;
	v4 =	vadd.f32 v8, v7  }
0x158: {  	v8 =	vld [tilespmem:s12+$0x10];
	[tilespmem:s4+$0xFFFFF020] =	vst v2;
	v1 =	vadd.f32 v1, v9  }
0x159: {  	v2 =	vld [tilespmem:s12+$0x20];
	[tilespmem:s4+$0xFFFFF030] =	vst v4;
	v4 =	vadd.f32 v15, v11  }
0x15a: {  	v15 =	vld [tilespmem:s12+$0x30];
	[tilespmem:s4+$0xFFFFF040] =	vst v1;
	v1 =	vadd.f32 v10, v13  }
0x15b: {  	v10 =	vadd.f32 v14, v0;
	v14 =	vld [tilespmem:s12+$0x40];
	[tilespmem:s4+$0xFFFFF050] =	vst v4  }
0x15c: {  	v4 =	vadd.f32 v12, v6;
	v12 =	vld [tilespmem:s12+$0x50];
	[tilespmem:s4+$0xFFFFF060] =	vst v1  }
0x15d: {  	[tilespmem:s4+$0x70] =	vst v10;
	v1 =	vadd.f32 v8, v3;
	v8 =	vld [tilespmem:s12+$0x60]  }
0x15e: {  	[tilespmem:s4+$0xFFFFF000] =	vst v4;
	v10 =	vld [tilespmem:s12+$0x1070];
	v2 =	vadd.f32 v2, v5  }
0x15f: {  	v4 =	vld [tilespmem:s12+$0x0];
	[tilespmem:s4+$0x10] =	vst v1;
	v1 =	vadd.f32 v15, v7  }
0x160: {  	v15 =	vld [tilespmem:s12+$0x1010];
	[tilespmem:s4+$0x20] =	vst v2;
	v2 =	vadd.f32 v14, v9  }
0x161: {  	v14 =	vld [tilespmem:s12+$0x1020];
	[tilespmem:s4+$0x30] =	vst v1  }
0x162: {  	v1 =	vadd.f32 v12, v11;
	v12 =	vld [tilespmem:s12+$0x1030];
	[tilespmem:s4+$0x40] =	vst v2  }
0x163: {  	v2 =	vadd.f32 v8, v13;
	v8 =	vld [tilespmem:s12+$0x1040]  }
0x164: {  	[tilespmem:s4+$0x50] =	vst v1;
	v1 =	vld [tilespmem:s16+$0xFFFFFFB0]  }
0x165: {  	[tilespmem:s4+$0x60] =	vst v2;
	v2 =	vld [tilespmem:s9+$0xFFFFE070]  }
0x166: {  	v0 =	vadd.f32 v10, v0;
	v10 =	vld [tilespmem:s9+$0xFFFFE020]  }
0x167: {  	v16 =	vld [tilespmem:s12+$0x1050]  }
0x168: {  	v17 =	vld [tilespmem:s12+$0x1060];
	v3 =	vadd.f32 v15, v3  }
0x169: {  	[tilespmem:s4+$0x1070] =	vst v0;
	v0 =	vadd.f32 v4, v6;
	v15 =	vld [tilespmem:s9+$0xFFFFE030]  }
0x16a: {  	[tilespmem:s4+$0x1010] =	vst v3;
	v3 =	vld [tilespmem:s16+$0xFFFFFFD0];
	v22 =	vadd.f32 v2, v18  }
0x16b: {  	s8 =	sadd.s32 $0x200, s4;
	[tilespmem:s4+$0x0] =	vst v0;
	v0 =	vadd.f32 v14, v5;
	v4 =	vadd.f32 v12, v7;
	v7 =	vld [tilespmem:s9+$0xFFFFE040]  }
0x16c: {  	v12 =	vld [tilespmem:s9+$0xFFFFE060];
	[tilespmem:s8+$0xFFFFE070] =	vst v22  }
0x16d: {  	v10 =	vadd.f32 v10, v1;
	[tilespmem:s4+$0x1020] =	vst v0;
	v14 =	vld [tilespmem:s9+$0xFFFFF070]  }
0x16e: {  	v2 =	vld [tilespmem:s16+$0xFFFFFFC0];
	v0 =	vadd.f32 v8, v9;
	[tilespmem:s4+$0x1030] =	vst v4  }
0x16f: {  	v5 =	vadd.f32 v16, v11;
	v4 =	vld [tilespmem:s16+$0xFFFFFFE0];
	[tilespmem:s8+$0xFFFFE020] =	vst v10  }
0x170: {  	v8 =	vld [tilespmem:s9+$0xFFFFE050];
	[tilespmem:s4+$0x1040] =	vst v0;
	v0 =	vadd.f32 v17, v13  }
0x171: {  	v11 =	vadd.f32 v21, v20;
	[tilespmem:s4+$0x1050] =	vst v5;
	v5 =	vld [tilespmem:s16+$0xFFFFFFF0]  }
0x172: {  	[tilespmem:s4+$0x1060] =	vst v0;
	v0 =	vld [tilespmem:s16+$0xFFFFFF90];
	v9 =	vadd.f32 v14, v18  }
0x173: {  	[tilespmem:s8+$0xFFFFE010] =	vst v11;
	v7 =	vadd.f32 v7, v3  }
0x174: {  	v10 =	vld [tilespmem:s9+$0xFFFFF010];
	[tilespmem:s8+$0xFFFFF070] =	vst v9;
	v9 =	vadd.f32 v15, v2  }
0x175: {  	v8 =	vadd.f32 v8, v4;
	[tilespmem:s8+$0xFFFFE040] =	vst v7;
	v11 =	vld [tilespmem:s9+$0x70]  }
0x176: {  	v12 =	vadd.f32 v12, v5;
	[tilespmem:s8+$0xFFFFE030] =	vst v9;
	v9 =	vld [tilespmem:s9+$0xFFFFF020]  }
0x177: {  	[tilespmem:s8+$0xFFFFE050] =	vst v8;
	v8 =	vadd.f32 v19, v0;
	v7 =	vld [tilespmem:s9+$0xFFFFF030]  }
0x178: {  	v13 =	vld [tilespmem:s9+$0xFFFFF040];
	[tilespmem:s8+$0xFFFFE060] =	vst v12  }
0x179: {  	v14 =	vld [tilespmem:s9+$0xFFFFF050];
	[tilespmem:s8+$0xFFFFE000] =	vst v8;
	v8 =	vadd.f32 v10, v20  }
0x17a: {  	v10 =	vld [tilespmem:s9+$0xFFFFF060];
	v11 =	vadd.f32 v11, v18  }
0x17b: {  	v12 =	vld [tilespmem:s9+$0xFFFFF000];
	[tilespmem:s8+$0xFFFFF010] =	vst v8;
	v9 =	vadd.f32 v9, v1  }
0x17c: {  	[tilespmem:s8+$0x70] =	vst v11;
	v7 =	vadd.f32 v7, v2;
	v11 =	vld [tilespmem:s9+$0x10]  }
0x17d: {  	v8 =	vld [tilespmem:s9+$0x1070];
	[tilespmem:s8+$0xFFFFF020] =	vst v9;
	v9 =	vadd.f32 v13, v3  }
0x17e: {  	v13 =	vld [tilespmem:s9+$0x20];
	[tilespmem:s8+$0xFFFFF030] =	vst v7;
	v7 =	vadd.f32 v14, v4  }
0x17f: {  	v14 =	vld [tilespmem:s9+$0x30];
	[tilespmem:s8+$0xFFFFF040] =	vst v9;
	v9 =	vadd.f32 v10, v5  }
0x180: {  	v10 =	vadd.f32 v12, v0;
	v12 =	vld [tilespmem:s9+$0x40];
	[tilespmem:s8+$0xFFFFF050] =	vst v7  }
0x181: {  	v7 =	vld [tilespmem:s9+$0x50];
	[tilespmem:s8+$0xFFFFF060] =	vst v9;
	v9 =	vadd.f32 v11, v20  }
0x182: {  	[tilespmem:s8+$0xFFFFF000] =	vst v10;
	v8 =	vadd.f32 v8, v18;
	v11 =	vld [tilespmem:s9+$0x60]  }
0x183: {  	v15 =	vld [tilespmem:s9+$0x0];
	v10 =	vadd.f32 v13, v1;
	[tilespmem:s8+$0x10] =	vst v9  }
0x184: {  	v13 =	vld [tilespmem:s12+$0x1000];
	[tilespmem:s8+$0x1070] =	vst v8;
	v8 =	vadd.f32 v14, v2  }
0x185: {  	v14 =	vld [tilespmem:s9+$0x1010];
	[tilespmem:s8+$0x20] =	vst v10;
	v9 =	vadd.f32 v12, v3  }
0x186: {  	v10 =	vld [tilespmem:s9+$0x1020];
	[tilespmem:s8+$0x30] =	vst v8;
	v8 =	vadd.f32 v7, v4  }
0x187: {  	v7 =	vld [tilespmem:s9+$0x1030];
	[tilespmem:s8+$0x40] =	vst v9;
	v11 =	vadd.f32 v11, v5  }
0x188: {  	v15 =	vadd.f32 v15, v0;
	v9 =	vld [tilespmem:s9+$0x1040];
	[tilespmem:s8+$0x50] =	vst v8  }
0x189: {  	v12 =	vadd.f32 v13, v6;
	v8 =	vld [tilespmem:s9+$0x1050];
	[tilespmem:s8+$0x60] =	vst v11  }
0x18a: {  	s14 =	smov.u32 s9;
	s16 =	sadd.s32 $0x200, s16;
	s12 =	simm.s32 $0x80;
	[tilespmem:s8+$0x0] =	vst v15;
	v6 =	vadd.f32 v14, v20;
	v11 =	vld [tilespmem:s9+$0x1060]  }
.LBB2_7:
0x18b: {  	v13 =	vld [tilespmem:s16+$0x0];
	v1 =	vadd.f32 v10, v1;
	s9 =	sadd.s32 $0x200, s9;
	[tilespmem:s4+$0x1000] =	vst v12;
	s4 =	smov.u32 s8  }
0x18c: {  	s12 =	sadd.s32 $0x80, s12;
	v10 =	vld [tilespmem:s9+$0xFFFFE070];
	[tilespmem:s8+$0x1010] =	vst v6;
	v2 =	vadd.f32 v7, v2  }
0x18d: {  	p1 =	slt.u32 s12, $0x380;
	v7 =	vld [tilespmem:s9+$0xFFFFE000];
	[tilespmem:s8+$0x1020] =	vst v1;
	v1 =	vadd.f32 v9, v3  }
0x18e: {  	v6 =	vld [tilespmem:s16+$0xFFFFFFA0];
	[tilespmem:s8+$0x1030] =	vst v2;
	v2 =	vadd.f32 v8, v4  }
0x18f: {  	v3 =	vld [tilespmem:s9+$0xFFFFE010];
	[tilespmem:s8+$0x1040] =	vst v1;
	v4 =	vadd.f32 v11, v5  }
0x190: {  	v1 =	vld [tilespmem:s16+$0xFFFFFFB0];
	[tilespmem:s8+$0x1050] =	vst v2  }
0x191: {  	v5 =	vld [tilespmem:s9+$0xFFFFE020];
	v8 =	vadd.f32 v10, v13;
	[tilespmem:s8+$0x1060] =	vst v4  }
0x192: {  	s8 =	sadd.s32 $0x200, s8;
	v2 =	vld [tilespmem:s16+$0xFFFFFFC0]  }
0x193: {  	v9 =	vld [tilespmem:s9+$0xFFFFE030];
	[tilespmem:s8+$0xFFFFE070] =	vst v8  }
0x194: {  	v4 =	vadd.f32 v3, v6;
	v8 =	vld [tilespmem:s9+$0xFFFFF070]  }
0x195: {  	v3 =	vld [tilespmem:s16+$0xFFFFFFD0]  }
0x196: {  	[tilespmem:s8+$0xFFFFE010] =	vst v4;
	v5 =	vadd.f32 v5, v1;
	v10 =	vld [tilespmem:s9+$0xFFFFE040]  }
0x197: {  	v4 =	vld [tilespmem:s16+$0xFFFFFFE0]  }
0x198: {  	[tilespmem:s8+$0xFFFFE020] =	vst v5;
	v9 =	vadd.f32 v9, v2;
	v11 =	vld [tilespmem:s9+$0xFFFFE050]  }
0x199: {  	v5 =	vld [tilespmem:s16+$0xFFFFFFF0];
	v8 =	vadd.f32 v8, v13  }
0x19a: {  	[tilespmem:s8+$0xFFFFE030] =	vst v9;
	v9 =	vld [tilespmem:s9+$0xFFFFE060]  }
0x19b: {  	v14 =	vld [tilespmem:s16+$0xFFFFFF90];
	v10 =	vadd.f32 v10, v3;
	[tilespmem:s8+$0xFFFFF070] =	vst v8  }
0x19c: {  	v8 =	vld [tilespmem:s9+$0x70]  }
0x19d: {  	v12 =	vld [tilespmem:s9+$0xFFFFF010];
	[tilespmem:s8+$0xFFFFE040] =	vst v10;
	v10 =	vadd.f32 v11, v4  }
0x19e: {  	v11 =	vld [tilespmem:s9+$0xFFFFF020]  }
0x19f: {  	v15 =	vld [tilespmem:s9+$0xFFFFF030];
	[tilespmem:s8+$0xFFFFE050] =	vst v10;
	v9 =	vadd.f32 v9, v5  }
0x1a0: {  	v7 =	vadd.f32 v7, v14;
	v10 =	vld [tilespmem:s9+$0xFFFFF040]  }
0x1a1: {  	v16 =	vld [tilespmem:s9+$0xFFFFF050];
	[tilespmem:s8+$0xFFFFE060] =	vst v9;
	v8 =	vadd.f32 v8, v13  }
0x1a2: {  	[tilespmem:s8+$0xFFFFE000] =	vst v7;
	v7 =	vadd.f32 v12, v6;
	v9 =	vld [tilespmem:s9+$0xFFFFF060]  }
0x1a3: {  	v12 =	vld [tilespmem:s9+$0xFFFFF000];
	v11 =	vadd.f32 v11, v1;
	[tilespmem:s8+$0x70] =	vst v8  }
0x1a4: {  	[tilespmem:s8+$0xFFFFF010] =	vst v7;
	v7 =	vadd.f32 v15, v2;
	v8 =	vld [tilespmem:s9+$0x1070]  }
0x1a5: {  	v15 =	vld [tilespmem:s9+$0x10];
	[tilespmem:s8+$0xFFFFF020] =	vst v11;
	v10 =	vadd.f32 v10, v3  }
0x1a6: {  	v11 =	vld [tilespmem:s9+$0x20];
	[tilespmem:s8+$0xFFFFF030] =	vst v7;
	v7 =	vadd.f32 v16, v4  }
0x1a7: {  	v16 =	vld [tilespmem:s9+$0x30];
	[tilespmem:s8+$0xFFFFF040] =	vst v10;
	v9 =	vadd.f32 v9, v5  }
0x1a8: {  	v10 =	vadd.f32 v12, v14;
	v12 =	vld [tilespmem:s9+$0x40];
	[tilespmem:s8+$0xFFFFF050] =	vst v7  }
0x1a9: {  	v7 =	vld [tilespmem:s9+$0x50];
	[tilespmem:s8+$0xFFFFF060] =	vst v9;
	v8 =	vadd.f32 v8, v13  }
0x1aa: {  	[tilespmem:s8+$0xFFFFF000] =	vst v10;
	v9 =	vadd.f32 v15, v6;
	v13 =	vld [tilespmem:s9+$0x60]  }
0x1ab: {  	v15 =	vld [tilespmem:s9+$0x0];
	v10 =	vadd.f32 v11, v1;
	[tilespmem:s8+$0x1070] =	vst v8  }
0x1ac: {  	[tilespmem:s8+$0x10] =	vst v9;
	v8 =	vadd.f32 v16, v2;
	v11 =	vld [tilespmem:s14+$0x1000];
	s14 =	smov.u32 s9  }
0x1ad: {  	v16 =	vld [tilespmem:s9+$0x1010];
	[tilespmem:s8+$0x20] =	vst v10;
	v9 =	vadd.f32 v12, v3  }
.Ltmp2:
0x1ae: {  	v10 =	vld [tilespmem:s9+$0x1020];
	[tilespmem:s8+$0x30] =	vst v8;
	v8 =	vadd.f32 v7, v4;
	(pc) =	sbr.rel @p1 .LBB2_7-.Ltmp2, $4  }
0x1af: {  	v7 =	vld [tilespmem:s9+$0x1030];
	[tilespmem:s8+$0x40] =	vst v9;
	v12 =	vadd.f32 v13, v5  }
0x1b0: {  	v13 =	vadd.f32 v15, v14;
	v9 =	vld [tilespmem:s9+$0x1040];
	[tilespmem:s8+$0x50] =	vst v8  }
0x1b1: {  	v8 =	vld [tilespmem:s9+$0x1050];
	[tilespmem:s8+$0x60] =	vst v12;
	v12 =	vadd.f32 v11, v0;
	v0 =	vmov v14  }
0x1b2: {  	s16 =	sadd.s32 $0x200, s16;
	[tilespmem:s8+$0x0] =	vst v13;
	v6 =	vadd.f32 v16, v6;
	v11 =	vld [tilespmem:s9+$0x1060]  }
0x1b3: {  	v1 =	vadd.f32 v10, v1;
	[tilespmem:s4+$0x1000] =	vst v12;
	v10 =	vld [tilespmem:s14+$0x1000]  }
0x1b4: {  	[tilespmem:s8+$0x1010] =	vst v6;
	v2 =	vadd.f32 v7, v2  }
0x1b5: {  	[tilespmem:s8+$0x1020] =	vst v1;
	v1 =	vadd.f32 v9, v3  }
0x1b6: {  	[tilespmem:s8+$0x1030] =	vst v2;
	v2 =	vadd.f32 v8, v4  }
0x1b7: {  	[tilespmem:s8+$0x1040] =	vst v1;
	v1 =	vadd.f32 v11, v5  }
0x1b8: {  	[tilespmem:s8+$0x1050] =	vst v2;
	v0 =	vadd.f32 v10, v0  }
0x1b9: {  	[tilespmem:s8+$0x1060] =	vst v1  }
0x1ba: {  	s17 =	sadd.s32 $0x81F0, s17;
	[tilespmem:s8+$0x1000] =	vst v0  }
0x1bb: {  	s12 =	sadd.s32 $0x2180, s18;
	v0 =	vld [tilespmem:s17+$0x0]  }
0x1bc: {  	v1 =	vld [tilespmem:s12+$0xFFFFE070]  }
0x1bd: {  	v2 =	vld [tilespmem:s12+$0xFFFFE000]  }
0x1be: {  	v3 =	vld [tilespmem:s17+$0xFFFFFFA0]  }
0x1bf: {  	v4 =	vld [tilespmem:s12+$0xFFFFE010]  }
0x1c0: {  	v5 =	vld [tilespmem:s17+$0xFFFFFFB0]  }
0x1c1: {  	v6 =	vld [tilespmem:s12+$0xFFFFE020]  }
0x1c2: {  	v7 =	vld [tilespmem:s17+$0xFFFFFFC0]  }
0x1c3: {  	v8 =	vld [tilespmem:s12+$0xFFFFE030]  }
0x1c4: {  	v9 =	vld [tilespmem:s17+$0xFFFFFFD0]  }
0x1c5: {  	v10 =	vld [tilespmem:s12+$0xFFFFE040]  }
0x1c6: {  	v11 =	vld [tilespmem:s17+$0xFFFFFFE0]  }
0x1c7: {  	v12 =	vld [tilespmem:s12+$0xFFFFE050]  }
0x1c8: {  	s18 =	sadd.s32 $0x200, s17;
	v13 =	vld [tilespmem:s17+$0xFFFFFFF0]  }
0x1c9: {  	s9 =	sadd.s32 $0x200, s12;
	v18 =	vld [tilespmem:s18+$0x0]  }
0x1ca: {  	v19 =	vld [tilespmem:s9+$0xFFFFE000]  }
0x1cb: {  	v20 =	vld [tilespmem:s18+$0xFFFFFFA0];
	v1 =	vadd.f32 v1, v0  }
0x1cc: {  	s4 =	sadd.s32 $0xC180, s31;
	v21 =	vld [tilespmem:s9+$0xFFFFE010]  }
0x1cd: {  	[tilespmem:s4+$0xFFFFE070] =	vst v1;
	v1 =	vadd.f32 v4, v3;
	v4 =	vld [tilespmem:s12+$0xFFFFE060]  }
0x1ce: {  	v15 =	vadd.f32 v6, v5;
	v14 =	vld [tilespmem:s12+$0xFFFFF070]  }
0x1cf: {  	v6 =	vld [tilespmem:s17+$0xFFFFFF90];
	[tilespmem:s4+$0xFFFFE010] =	vst v1;
	v1 =	vadd.f32 v8, v7  }
0x1d0: {  	[tilespmem:s4+$0xFFFFE020] =	vst v15;
	v8 =	vadd.f32 v10, v9;
	v10 =	vld [tilespmem:s12+$0xFFFFF010]  }
0x1d1: {  	[tilespmem:s4+$0xFFFFE030] =	vst v1;
	v1 =	vadd.f32 v12, v11;
	v12 =	vld [tilespmem:s12+$0xFFFFF020]  }
0x1d2: {  	[tilespmem:s4+$0xFFFFE040] =	vst v8;
	v8 =	vld [tilespmem:s12+$0xFFFFF030];
	v4 =	vadd.f32 v4, v13  }
0x1d3: {  	v14 =	vadd.f32 v14, v0;
	[tilespmem:s4+$0xFFFFE050] =	vst v1;
	v1 =	vld [tilespmem:s12+$0xFFFFF040]  }
0x1d4: {  	v2 =	vadd.f32 v2, v6;
	v15 =	vld [tilespmem:s12+$0xFFFFF050];
	[tilespmem:s4+$0xFFFFE060] =	vst v4  }
0x1d5: {  	[tilespmem:s4+$0xFFFFF070] =	vst v14;
	v4 =	vadd.f32 v10, v3;
	v10 =	vld [tilespmem:s12+$0xFFFFF060]  }
0x1d6: {  	[tilespmem:s4+$0xFFFFE000] =	vst v2;
	v14 =	vld [tilespmem:s12+$0x70];
	v2 =	vadd.f32 v12, v5  }
0x1d7: {  	v12 =	vld [tilespmem:s12+$0xFFFFF000];
	[tilespmem:s4+$0xFFFFF010] =	vst v4;
	v4 =	vadd.f32 v8, v7  }
0x1d8: {  	v8 =	vld [tilespmem:s12+$0x10];
	[tilespmem:s4+$0xFFFFF020] =	vst v2;
	v1 =	vadd.f32 v1, v9  }
0x1d9: {  	v2 =	vld [tilespmem:s12+$0x20];
	[tilespmem:s4+$0xFFFFF030] =	vst v4;
	v4 =	vadd.f32 v15, v11  }
0x1da: {  	v15 =	vld [tilespmem:s12+$0x30];
	[tilespmem:s4+$0xFFFFF040] =	vst v1;
	v1 =	vadd.f32 v10, v13  }
0x1db: {  	v10 =	vadd.f32 v14, v0;
	v14 =	vld [tilespmem:s12+$0x40];
	[tilespmem:s4+$0xFFFFF050] =	vst v4  }
0x1dc: {  	v4 =	vadd.f32 v12, v6;
	v12 =	vld [tilespmem:s12+$0x50];
	[tilespmem:s4+$0xFFFFF060] =	vst v1  }
0x1dd: {  	[tilespmem:s4+$0x70] =	vst v10;
	v1 =	vadd.f32 v8, v3;
	v8 =	vld [tilespmem:s12+$0x60]  }
0x1de: {  	[tilespmem:s4+$0xFFFFF000] =	vst v4;
	v10 =	vld [tilespmem:s12+$0x1070];
	v2 =	vadd.f32 v2, v5  }
0x1df: {  	v4 =	vld [tilespmem:s12+$0x0];
	[tilespmem:s4+$0x10] =	vst v1;
	v1 =	vadd.f32 v15, v7  }
0x1e0: {  	v15 =	vld [tilespmem:s12+$0x1010];
	[tilespmem:s4+$0x20] =	vst v2;
	v2 =	vadd.f32 v14, v9  }
0x1e1: {  	v14 =	vld [tilespmem:s12+$0x1020];
	[tilespmem:s4+$0x30] =	vst v1  }
0x1e2: {  	v1 =	vadd.f32 v12, v11;
	v12 =	vld [tilespmem:s12+$0x1030];
	[tilespmem:s4+$0x40] =	vst v2  }
0x1e3: {  	v2 =	vadd.f32 v8, v13;
	v8 =	vld [tilespmem:s12+$0x1040]  }
0x1e4: {  	[tilespmem:s4+$0x50] =	vst v1;
	v1 =	vld [tilespmem:s18+$0xFFFFFFB0]  }
0x1e5: {  	[tilespmem:s4+$0x60] =	vst v2;
	v2 =	vld [tilespmem:s9+$0xFFFFE070]  }
0x1e6: {  	v0 =	vadd.f32 v10, v0;
	v10 =	vld [tilespmem:s9+$0xFFFFE020]  }
0x1e7: {  	v16 =	vld [tilespmem:s12+$0x1050]  }
0x1e8: {  	v17 =	vld [tilespmem:s12+$0x1060];
	v3 =	vadd.f32 v15, v3  }
0x1e9: {  	[tilespmem:s4+$0x1070] =	vst v0;
	v0 =	vadd.f32 v4, v6;
	v15 =	vld [tilespmem:s9+$0xFFFFE030]  }
0x1ea: {  	[tilespmem:s4+$0x1010] =	vst v3;
	v3 =	vld [tilespmem:s18+$0xFFFFFFD0];
	v22 =	vadd.f32 v2, v18  }
0x1eb: {  	s8 =	sadd.s32 $0x200, s4;
	[tilespmem:s4+$0x0] =	vst v0;
	v0 =	vadd.f32 v14, v5;
	v4 =	vadd.f32 v12, v7;
	v7 =	vld [tilespmem:s9+$0xFFFFE040]  }
0x1ec: {  	v12 =	vld [tilespmem:s9+$0xFFFFE060];
	[tilespmem:s8+$0xFFFFE070] =	vst v22  }
0x1ed: {  	v10 =	vadd.f32 v10, v1;
	[tilespmem:s4+$0x1020] =	vst v0;
	v14 =	vld [tilespmem:s9+$0xFFFFF070]  }
0x1ee: {  	v2 =	vld [tilespmem:s18+$0xFFFFFFC0];
	v0 =	vadd.f32 v8, v9;
	[tilespmem:s4+$0x1030] =	vst v4  }
0x1ef: {  	v5 =	vadd.f32 v16, v11;
	v4 =	vld [tilespmem:s18+$0xFFFFFFE0];
	[tilespmem:s8+$0xFFFFE020] =	vst v10  }
0x1f0: {  	v8 =	vld [tilespmem:s9+$0xFFFFE050];
	[tilespmem:s4+$0x1040] =	vst v0;
	v0 =	vadd.f32 v17, v13  }
0x1f1: {  	v11 =	vadd.f32 v21, v20;
	[tilespmem:s4+$0x1050] =	vst v5;
	v5 =	vld [tilespmem:s18+$0xFFFFFFF0]  }
0x1f2: {  	[tilespmem:s4+$0x1060] =	vst v0;
	v0 =	vld [tilespmem:s18+$0xFFFFFF90];
	v9 =	vadd.f32 v14, v18  }
0x1f3: {  	[tilespmem:s8+$0xFFFFE010] =	vst v11;
	v7 =	vadd.f32 v7, v3  }
0x1f4: {  	v10 =	vld [tilespmem:s9+$0xFFFFF010];
	[tilespmem:s8+$0xFFFFF070] =	vst v9;
	v9 =	vadd.f32 v15, v2  }
0x1f5: {  	v8 =	vadd.f32 v8, v4;
	[tilespmem:s8+$0xFFFFE040] =	vst v7;
	v11 =	vld [tilespmem:s9+$0x70]  }
0x1f6: {  	v12 =	vadd.f32 v12, v5;
	[tilespmem:s8+$0xFFFFE030] =	vst v9;
	v9 =	vld [tilespmem:s9+$0xFFFFF020]  }
0x1f7: {  	[tilespmem:s8+$0xFFFFE050] =	vst v8;
	v8 =	vadd.f32 v19, v0;
	v7 =	vld [tilespmem:s9+$0xFFFFF030]  }
0x1f8: {  	v13 =	vld [tilespmem:s9+$0xFFFFF040];
	[tilespmem:s8+$0xFFFFE060] =	vst v12  }
0x1f9: {  	v14 =	vld [tilespmem:s9+$0xFFFFF050];
	[tilespmem:s8+$0xFFFFE000] =	vst v8;
	v8 =	vadd.f32 v10, v20  }
0x1fa: {  	v10 =	vld [tilespmem:s9+$0xFFFFF060];
	v11 =	vadd.f32 v11, v18  }
0x1fb: {  	v12 =	vld [tilespmem:s9+$0xFFFFF000];
	[tilespmem:s8+$0xFFFFF010] =	vst v8;
	v9 =	vadd.f32 v9, v1  }
0x1fc: {  	[tilespmem:s8+$0x70] =	vst v11;
	v7 =	vadd.f32 v7, v2;
	v11 =	vld [tilespmem:s9+$0x10]  }
0x1fd: {  	v8 =	vld [tilespmem:s9+$0x1070];
	[tilespmem:s8+$0xFFFFF020] =	vst v9;
	v9 =	vadd.f32 v13, v3  }
0x1fe: {  	v13 =	vld [tilespmem:s9+$0x20];
	[tilespmem:s8+$0xFFFFF030] =	vst v7;
	v7 =	vadd.f32 v14, v4  }
0x1ff: {  	v14 =	vld [tilespmem:s9+$0x30];
	[tilespmem:s8+$0xFFFFF040] =	vst v9;
	v9 =	vadd.f32 v10, v5  }
0x200: {  	v10 =	vadd.f32 v12, v0;
	v12 =	vld [tilespmem:s9+$0x40];
	[tilespmem:s8+$0xFFFFF050] =	vst v7  }
0x201: {  	v7 =	vld [tilespmem:s9+$0x50];
	[tilespmem:s8+$0xFFFFF060] =	vst v9;
	v9 =	vadd.f32 v11, v20  }
0x202: {  	[tilespmem:s8+$0xFFFFF000] =	vst v10;
	v8 =	vadd.f32 v8, v18;
	v11 =	vld [tilespmem:s9+$0x60]  }
0x203: {  	v15 =	vld [tilespmem:s9+$0x0];
	v10 =	vadd.f32 v13, v1;
	[tilespmem:s8+$0x10] =	vst v9  }
0x204: {  	v13 =	vld [tilespmem:s12+$0x1000];
	[tilespmem:s8+$0x1070] =	vst v8;
	v8 =	vadd.f32 v14, v2  }
0x205: {  	v14 =	vld [tilespmem:s9+$0x1010];
	[tilespmem:s8+$0x20] =	vst v10;
	v9 =	vadd.f32 v12, v3  }
0x206: {  	v10 =	vld [tilespmem:s9+$0x1020];
	[tilespmem:s8+$0x30] =	vst v8;
	v8 =	vadd.f32 v7, v4  }
0x207: {  	v7 =	vld [tilespmem:s9+$0x1030];
	[tilespmem:s8+$0x40] =	vst v9;
	v11 =	vadd.f32 v11, v5  }
0x208: {  	v15 =	vadd.f32 v15, v0;
	v9 =	vld [tilespmem:s9+$0x1040];
	[tilespmem:s8+$0x50] =	vst v8  }
0x209: {  	v12 =	vadd.f32 v13, v6;
	v8 =	vld [tilespmem:s9+$0x1050];
	[tilespmem:s8+$0x60] =	vst v11  }
0x20a: {  	s16 =	sadd.s32 $0x200, s18;
	s14 =	smov.u32 s9;
	s12 =	simm.s32 $0x80;
	[tilespmem:s8+$0x0] =	vst v15;
	v6 =	vadd.f32 v14, v20;
	v11 =	vld [tilespmem:s9+$0x1060]  }
.LBB2_9:
0x20b: {  	v13 =	vld [tilespmem:s16+$0x0];
	v1 =	vadd.f32 v10, v1;
	s9 =	sadd.s32 $0x200, s9;
	[tilespmem:s4+$0x1000] =	vst v12;
	s4 =	smov.u32 s8  }
0x20c: {  	s12 =	sadd.s32 $0x80, s12;
	v10 =	vld [tilespmem:s9+$0xFFFFE070];
	[tilespmem:s8+$0x1010] =	vst v6;
	v2 =	vadd.f32 v7, v2  }
0x20d: {  	p1 =	slt.u32 s12, $0x380;
	v7 =	vld [tilespmem:s9+$0xFFFFE000];
	[tilespmem:s8+$0x1020] =	vst v1;
	v1 =	vadd.f32 v9, v3  }
0x20e: {  	v6 =	vld [tilespmem:s16+$0xFFFFFFA0];
	[tilespmem:s8+$0x1030] =	vst v2;
	v2 =	vadd.f32 v8, v4  }
0x20f: {  	v3 =	vld [tilespmem:s9+$0xFFFFE010];
	[tilespmem:s8+$0x1040] =	vst v1;
	v4 =	vadd.f32 v11, v5  }
0x210: {  	v1 =	vld [tilespmem:s16+$0xFFFFFFB0];
	[tilespmem:s8+$0x1050] =	vst v2  }
0x211: {  	v5 =	vld [tilespmem:s9+$0xFFFFE020];
	v8 =	vadd.f32 v10, v13;
	[tilespmem:s8+$0x1060] =	vst v4  }
0x212: {  	s8 =	sadd.s32 $0x200, s8;
	v2 =	vld [tilespmem:s16+$0xFFFFFFC0]  }
0x213: {  	v9 =	vld [tilespmem:s9+$0xFFFFE030];
	[tilespmem:s8+$0xFFFFE070] =	vst v8  }
0x214: {  	v4 =	vadd.f32 v3, v6;
	v8 =	vld [tilespmem:s9+$0xFFFFF070]  }
0x215: {  	v3 =	vld [tilespmem:s16+$0xFFFFFFD0]  }
0x216: {  	[tilespmem:s8+$0xFFFFE010] =	vst v4;
	v5 =	vadd.f32 v5, v1;
	v10 =	vld [tilespmem:s9+$0xFFFFE040]  }
0x217: {  	v4 =	vld [tilespmem:s16+$0xFFFFFFE0]  }
0x218: {  	[tilespmem:s8+$0xFFFFE020] =	vst v5;
	v9 =	vadd.f32 v9, v2;
	v11 =	vld [tilespmem:s9+$0xFFFFE050]  }
0x219: {  	v5 =	vld [tilespmem:s16+$0xFFFFFFF0];
	v8 =	vadd.f32 v8, v13  }
0x21a: {  	[tilespmem:s8+$0xFFFFE030] =	vst v9;
	v9 =	vld [tilespmem:s9+$0xFFFFE060]  }
0x21b: {  	v14 =	vld [tilespmem:s16+$0xFFFFFF90];
	v10 =	vadd.f32 v10, v3;
	[tilespmem:s8+$0xFFFFF070] =	vst v8  }
0x21c: {  	v8 =	vld [tilespmem:s9+$0x70]  }
0x21d: {  	v12 =	vld [tilespmem:s9+$0xFFFFF010];
	[tilespmem:s8+$0xFFFFE040] =	vst v10;
	v10 =	vadd.f32 v11, v4  }
0x21e: {  	v11 =	vld [tilespmem:s9+$0xFFFFF020]  }
0x21f: {  	v15 =	vld [tilespmem:s9+$0xFFFFF030];
	[tilespmem:s8+$0xFFFFE050] =	vst v10;
	v9 =	vadd.f32 v9, v5  }
0x220: {  	v7 =	vadd.f32 v7, v14;
	v10 =	vld [tilespmem:s9+$0xFFFFF040]  }
0x221: {  	v16 =	vld [tilespmem:s9+$0xFFFFF050];
	[tilespmem:s8+$0xFFFFE060] =	vst v9;
	v8 =	vadd.f32 v8, v13  }
0x222: {  	[tilespmem:s8+$0xFFFFE000] =	vst v7;
	v7 =	vadd.f32 v12, v6;
	v9 =	vld [tilespmem:s9+$0xFFFFF060]  }
0x223: {  	v12 =	vld [tilespmem:s9+$0xFFFFF000];
	v11 =	vadd.f32 v11, v1;
	[tilespmem:s8+$0x70] =	vst v8  }
0x224: {  	[tilespmem:s8+$0xFFFFF010] =	vst v7;
	v7 =	vadd.f32 v15, v2;
	v8 =	vld [tilespmem:s9+$0x1070]  }
0x225: {  	v15 =	vld [tilespmem:s9+$0x10];
	[tilespmem:s8+$0xFFFFF020] =	vst v11;
	v10 =	vadd.f32 v10, v3  }
0x226: {  	v11 =	vld [tilespmem:s9+$0x20];
	[tilespmem:s8+$0xFFFFF030] =	vst v7;
	v7 =	vadd.f32 v16, v4  }
0x227: {  	v16 =	vld [tilespmem:s9+$0x30];
	[tilespmem:s8+$0xFFFFF040] =	vst v10;
	v9 =	vadd.f32 v9, v5  }
0x228: {  	v10 =	vadd.f32 v12, v14;
	v12 =	vld [tilespmem:s9+$0x40];
	[tilespmem:s8+$0xFFFFF050] =	vst v7  }
0x229: {  	v7 =	vld [tilespmem:s9+$0x50];
	[tilespmem:s8+$0xFFFFF060] =	vst v9;
	v8 =	vadd.f32 v8, v13  }
0x22a: {  	[tilespmem:s8+$0xFFFFF000] =	vst v10;
	v9 =	vadd.f32 v15, v6;
	v13 =	vld [tilespmem:s9+$0x60]  }
0x22b: {  	v15 =	vld [tilespmem:s9+$0x0];
	v10 =	vadd.f32 v11, v1;
	[tilespmem:s8+$0x1070] =	vst v8  }
0x22c: {  	[tilespmem:s8+$0x10] =	vst v9;
	v8 =	vadd.f32 v16, v2;
	v11 =	vld [tilespmem:s14+$0x1000];
	s14 =	smov.u32 s9  }
0x22d: {  	v16 =	vld [tilespmem:s9+$0x1010];
	[tilespmem:s8+$0x20] =	vst v10;
	v9 =	vadd.f32 v12, v3  }
.Ltmp3:
0x22e: {  	v10 =	vld [tilespmem:s9+$0x1020];
	[tilespmem:s8+$0x30] =	vst v8;
	v8 =	vadd.f32 v7, v4;
	(pc) =	sbr.rel @p1 .LBB2_9-.Ltmp3, $4  }
0x22f: {  	v7 =	vld [tilespmem:s9+$0x1030];
	[tilespmem:s8+$0x40] =	vst v9;
	v12 =	vadd.f32 v13, v5  }
0x230: {  	v13 =	vadd.f32 v15, v14;
	v9 =	vld [tilespmem:s9+$0x1040];
	[tilespmem:s8+$0x50] =	vst v8  }
0x231: {  	v8 =	vld [tilespmem:s9+$0x1050];
	[tilespmem:s8+$0x60] =	vst v12;
	v12 =	vadd.f32 v11, v0;
	v0 =	vmov v14  }
0x232: {  	s16 =	sadd.s32 $0x200, s16;
	[tilespmem:s8+$0x0] =	vst v13;
	v6 =	vadd.f32 v16, v6;
	v11 =	vld [tilespmem:s9+$0x1060]  }
0x233: {  	v1 =	vadd.f32 v10, v1;
	[tilespmem:s4+$0x1000] =	vst v12;
	v60 =	vld [tilespmem:s14+$0x1000]  }
0x234: {  	[tilespmem:s8+$0x1010] =	vst v6;
	v2 =	vadd.f32 v7, v2  }
0x235: {  	[tilespmem:s8+$0x1020] =	vst v1;
	v61 =	vadd.f32 v9, v3  }
0x236: {  	[tilespmem:s8+$0x1030] =	vst v2;
	v62 =	vadd.f32 v8, v4  }
0x237: {  	p1 =	sne.s32 s30, s29;
	[tilespmem:s8+$0x1040] =	vst v61;
	v63 =	vadd.f32 v11, v5  }
0x238: {  	p0 =	por p0, p1;
	[tilespmem:s8+$0x1050] =	vst v62;
	v0 =	vadd.f32 v60, v0  }
0x239: {  	s4 =	sshll.u32 @p0 s15, $0xC;
	s9 =	sshll.u32 @p0 s30, $0x9;
	[tilespmem:s8+$0x1060] =	vst v63  }
0x23a: {  	s4 =	sand.u32 @p0 $0xFFFFE000, s4;
	[tilespmem:s8+$0x1000] =	vst v0;
	s8 =	sand.u32 @p0 $0x200, s9  }
0x23b: {  	s0 =	sadd.s32 @p0 $0x5, s0;
	s4 =	sor.u32 @p0 s8, s4  }
0x23c: {  	s9 =	simm.s32 @p0 $0x400;
	_ =	strace $0x9000004D;
	s4 =	sshrl.u32 @p0 s4, $0x3  }
0x23d: {  	s8 =	simm.s32 @p0 $0x200;
	_ =	strace @p0 $0x8000004E;
	s4 =	sadd.s32 @p0 s2, s4  }
0x23e: {  	[hbm4b:s4+s8] =	stream.strided.scatter @p0 [tilespmem:s13], [sflag:s0], $0x1000, s9, s8, $0x200038;
	[tilespmem:$0x12000] =	vst v63  }
0x23f: {  	s12 =	sadd.s32 @p0 $0xB000, s31;
	s13 =	sadd.s32 @p0 $0x80000, s4  }
0x240: {  	[hbm4b:s13+s8] =	stream.strided.scatter @p0 [tilespmem:s12], [sflag:s0], $0x1000, s9, s8, $0x200038;
	[tilespmem:$0x12000] =	vst v63  }
0x241: {  	s12 =	sadd.s32 @p0 $0xC000, s31;
	s13 =	sadd.s32 @p0 $0x100000, s4  }
0x242: {  	[hbm4b:s13+s8] =	stream.strided.scatter @p0 [tilespmem:s12], [sflag:s0], $0x1000, s9, s8, $0x200038;
	[tilespmem:$0x12000] =	vst v63  }
0x243: {  	p1 =	seq.s32 s28, $0x0;
	s4 =	sadd.s32 @p0 $0x180000, s4;
	s12 =	sadd.s32 @p0 $0xD000, s31  }
0x244: {  	[hbm4b:s4+s8] =	stream.strided.scatter @p0 [tilespmem:s12], [sflag:s0], $0x1000, s9, s8, $0x200038;
	[tilespmem:$0x12000] =	vst v63  }
0x245: {  	s0 =	sand.u32 @!p1 $0x1, s21;
	_ =	strace @p0 $0x9000004E  }
0x246: {  	s0 =	sadd.s32 @!p1 $0x5, s0;
	_ =	strace @!p1 $0x8000004F  }
0x247: {  	s4 =	simm.s32 $0x1;
	_ =	swait.ge @!p1 [sflag:s0], $0x4000  }
0x248: {  	s4 =	simm.s32 @!p0 $0x0;
	p0 =	sne.s32 s28, $0x0;
	[sflag:s0] =	ssyncset.done @!p1 $0x0  }
0x249: {  	s28 =	sadd.s32 $0x1, s28;
	[sflag:s0] =	ssyncadd.s32 @!p1 $0xFFFFC000;
	s0 =	simm.s32 $0x1  }
0x24a: {  	s0 =	simm.s32 @!p0 $0x0;
	p0 =	sne.s32 s28, $0x20  }
.Ltmp4:
0x24b: {  	_ = 	snop;
	(pc) =	sbr.rel @p0 .LBB2_2-.Ltmp4, $4  }
0x24c: {  	_ = 	snop  }
0x24d: {  	s24 =	sadd.s32 s24, s3  }
0x24e: {  	s30 =	smov.u32 s29;
	s22 =	sadd.s32 s4, s22;
	s25 =	sadd.s32 s4, s25  }
0x24f: {  	s23 =	sadd.s32 s4, s23;
	_ =	strace @!p1 $0x9000004F;
	s21 =	sadd.s32 s0, s21  }
0x250: {  	_ =	strace $0x80000050  }
0x251: {  	_ =	swait.ge [sflag:s19], $0x4000  }
0x252: {  	s20 =	sadd.s32 $0x1, s20;
	s0 =	rddreg [dreg:$0x5]  }
0x253: {  	p0 =	sne.s32 s20, s0  }
.Ltmp5:
0x254: {  	_ = 	snop;
	(pc) =	sbr.rel @p0 .LBB2_1-.Ltmp5, $4  }
0x255: {  	_ = 	snop  }
0x256: {  	[sflag:s19] =	ssyncset.done $0x0  }
0x257: {  	[sflag:s19] =	ssyncadd.s32 $0xFFFFC000  }
0x258: {  	_ =	strace $0x90000050  }
0x259: {  	_ =	sfence.sel $0x180000  }
0x25a: {  	[bflag:$0x0] =	sbarrier.arrive $0xFFFF  }
0x25b: {  	_ =	strace $0x90000047  }
0x25c: {  	s0 =	stileid.u32;
	[bflag:$0x2] =	sbarrier.arrive $0xFFFF  }
0x25d: {  	p0 =	sne.s32 s0, $0x0;
	s0 =	rddreg [dreg:$0x3]  }
0x25e: {  	s0 =	sadd.s32 @!p0 $0x100000, s0  }
0x25f: {  	[sflag:s0] =	ssyncadd.tile.s32 @!p0 $0x1;
	_ =	shalt  }
.Lfunc_end2:
_tile_overlayer_lowered:
.L_overlay_start_2:
0x260: {  	(tag) =	ssettag $0x2  }
0x261: {  	s0 =	rddreg [dreg:$0x0];
	s2 =	stileid.u32  }
0x262: {  	s1 =	rddreg [dreg:$0x1];
	p0 =	sne.s32 s2, $0x0  }
0x263: {  	s3 =	rddreg [dreg:$0x2];
	[bflag:$0x3] =	sbarrier.arrive $0xFFFF;
	s2 =	simm.s32 @!p0 $0x1C01  }
0x264: {  	[timem:s3], [sflag:s2] =	dma.local @!p0 [hbm:s0], s1  }
0x265: {  	s0 =	simm.s32 @!p0 $0x1  }
0x266: {  	_ =	swait.ge @!p0 [sflag:s0], s1  }
0x267: {  	s1 =	ssub.s32 @!p0 $0x0, s1;
	[sflag:s0] =	ssyncset.done @!p0 $0x0  }
0x268: {  	[sflag:s0] =	ssyncadd.s32 @!p0 s1  }
0x269: {  	[bflag:$0x3] =	sbarrier.arrive $0xFFFF  }
0x26a: {  	_ =	shalt  }

</sc_bundles>
